<compile_context>
chip_gen: v7x
topology: tpu7x:2x2x1
jax: 0.10.2.dev20260603
libtpu: 0.0.44.dev20260713+nightly
codegen_flags: <defaults>
</compile_context>

<pallas_src>
import numpy as np
import jax
import jax.numpy as jnp
from jax import lax
from jax.experimental import pallas as pl
from jax.experimental.pallas import tpu as pltpu

_F32 = jnp.float32
_NT = (((1,), (1,)), ((), ()))
_TN = (((0,), (0,)), ((), ()))


def _row_softmax(l):
    m = jnp.max(l, axis=-1, keepdims=True)
    p = jnp.exp(l - m)
    return p / jnp.sum(p, axis=-1, keepdims=True)


def _leaky(x):
    return jnp.where(x >= 0, x, 0.05 * x)


def _first_stage(xv4, xv2, W, b):
    B, V, T, C = xv4.shape
    O = W.shape[0]

    def body(x4_ref, x2_ref, w_ref, brow_ref, h_ref, a_ref):
        e = jnp.mean(x4_ref[0], axis=1)
        l = lax.dot_general(e, e, _NT, preferred_element_type=_F32)
        a_ref[0] = _row_softmax(l * (1.0 / np.sqrt(C)))
        h = lax.dot_general(x2_ref[0], w_ref[...], _NT,
                            preferred_element_type=_F32)
        h_ref[0] = h + brow_ref[...]

    return pl.pallas_call(
        body,
        grid=(B,),
        in_specs=[
            pl.BlockSpec((1, V, T, C), lambda b: (b, 0, 0, 0)),
            pl.BlockSpec((1, V * T, C), lambda b: (b, 0, 0)),
            pl.BlockSpec((O, C), lambda b: (0, 0)),
            pl.BlockSpec((1, O), lambda b: (0, 0)),
        ],
        out_specs=[
            pl.BlockSpec((1, V * T, O), lambda b: (b, 0, 0)),
            pl.BlockSpec((1, V, V), lambda b: (b, 0, 0)),
        ],
        out_shape=[
            jax.ShapeDtypeStruct((B, V * T, O), _F32),
            jax.ShapeDtypeStruct((B, V, V), _F32),
        ],
    )(xv4, xv2, W, b.reshape(1, O))


def _amix(H, A):
    B, V, N = H.shape

    def body(h_ref, a_ref, y_ref):
        y_ref[0] = lax.dot_general(a_ref[0], h_ref[0], _TN,
                                   preferred_element_type=_F32)

    return pl.pallas_call(
        body,
        grid=(B,),
        in_specs=[
            pl.BlockSpec((1, V, N), lambda b: (b, 0, 0)),
            pl.BlockSpec((1, V, V), lambda b: (b, 0, 0)),
        ],
        out_specs=pl.BlockSpec((1, V, N), lambda b: (b, 0, 0)),
        out_shape=jax.ShapeDtypeStruct((B, V, N), _F32),
    )(H, A)


def _mid_stage(Y, g, be, W, b, T, V):
    B = Y.shape[0]
    C = Y.shape[2] // T
    O = W.shape[0]
    Y2 = Y.reshape(B, V * T, C)
    Y4 = Y.reshape(B, V, T, C)
    n = B * T * V

    def body(y2_ref, y4_ref, g_ref, be_ref, w_ref, brow_ref, h_ref, a_ref,
             acc):
        ph = pl.program_id(0)
        b_i = pl.program_id(1)

        @pl.when((ph == 0) & (b_i == 0))
        def _():
            acc[...] = jnp.zeros((8, C), _F32)

        @pl.when(ph == 0)
        def _():
            y = y2_ref[0]
            acc[0:1, :] += jnp.sum(y, axis=0, keepdims=True)
            acc[1:2, :] += jnp.sum(y * y, axis=0, keepdims=True)

        @pl.when(ph == 1)
        def _():
            mean = acc[0:1, :] * (1.0 / n)
            var = acc[1:2, :] * (1.0 / n) - mean * mean
            inv = lax.rsqrt(var + 1e-5)
            scale = g_ref[...] * inv
            shift = be_ref[...] - mean * scale
            z2 = _leaky(y2_ref[0] * scale + shift)
            h = lax.dot_general(z2, w_ref[...], _NT,
                                preferred_element_type=_F32)
            h_ref[0] = h + brow_ref[...]
            z4 = _leaky(y4_ref[0] * scale[None] + shift[None])
            e = jnp.mean(z4, axis=1)
            l = lax.dot_general(e, e, _NT, preferred_element_type=_F32)
            a_ref[0] = _row_softmax(l * (1.0 / np.sqrt(C)))

    return pl.pallas_call(
        body,
        grid=(2, B),
        in_specs=[
            pl.BlockSpec((1, V * T, C), lambda ph, b: (b, 0, 0)),
            pl.BlockSpec((1, V, T, C), lambda ph, b: (b, 0, 0, 0)),
            pl.BlockSpec((1, C), lambda ph, b: (0, 0)),
            pl.BlockSpec((1, C), lambda ph, b: (0, 0)),
            pl.BlockSpec((O, C), lambda ph, b: (0, 0)),
            pl.BlockSpec((1, O), lambda ph, b: (0, 0)),
        ],
        out_specs=[
            pl.BlockSpec((1, V * T, O), lambda ph, b: (b, 0, 0)),
            pl.BlockSpec((1, V, V), lambda ph, b: (b, 0, 0)),
        ],
        out_shape=[
            jax.ShapeDtypeStruct((B, V * T, O), _F32),
            jax.ShapeDtypeStruct((B, V, V), _F32),
        ],
        scratch_shapes=[pltpu.VMEM((8, C), _F32)],
    )(Y2, Y4, g.reshape(1, C), be.reshape(1, C), W, b.reshape(1, O))


def kernel(x, W1, b1, g1, be1, W2, b2, g2, be2, W3, b3):
    B, C0, T, V = x.shape
    O1, O2, O3 = W1.shape[0], W2.shape[0], W3.shape[0]
    xv4 = jnp.transpose(x, (0, 3, 2, 1))
    xv2 = xv4.reshape(B, V * T, C0)
    H1, A1 = _first_stage(xv4, xv2, W1, b1)
    Y1 = _amix(H1.reshape(B, V, T * O1), A1)
    H2, A2 = _mid_stage(Y1, g1, be1, W2, b2, T, V)
    Y2 = _amix(H2.reshape(B, V, T * O2), A2)
    H3, A3 = _mid_stage(Y2, g2, be2, W3, b3, T, V)
    Y3 = _amix(H3.reshape(B, V, T * O3), A3)
    return Y3.reshape(B, V, T, O3).transpose(0, 3, 2, 1)

# --- scband reference (transcript-rebuilt; emitter-appended) ---
"""Pipeline reference for scband-post-process-block-18640158065295 (READ-ONLY COPY).

The authoritative reference and input builder live on the scoring server;
editing this copy changes nothing except your own understanding.
"""

import jax, jax.numpy as jnp
import numpy as np

IC = 3
HC = 64
B, T, V = 16, 150, 25
C0 = HC * 3 + 1  # 193


def _getgraph(x):
    # x: [B, C, T, V] -> adjacency [B, V, V] from time-pooled feature similarity
    e = jnp.mean(x, axis=2)  # [B, C, V]
    logits = jnp.einsum('bcv,bcw->bvw', e, e) / np.sqrt(float(e.shape[1]))
    return jax.nn.softmax(logits, axis=-1)


def _gc(x, A, W, b):
    # 1x1 conv over channels then dense message passing over joints
    h = jnp.einsum('bitv,oi->botv', x, W) + b[None, :, None, None]
    return jnp.einsum('botv,bvw->botw', h, A)


def _bn(x, g, be):
    # BatchNorm2d in training mode: batch stats over (B, T, V)
    mean = jnp.mean(x, axis=(0, 2, 3), keepdims=True)
    var = jnp.var(x, axis=(0, 2, 3), keepdims=True)
    xh = (x - mean) / jnp.sqrt(var + 1e-5)
    return xh * g[None, :, None, None] + be[None, :, None, None]


def _leaky(x):
    return jnp.where(x >= 0, x, 0.05 * x)


def setup_inputs(seed: int = 0):
    key = jax.random.key(seed)
    ks = jax.random.split(key, 8)
    x = jax.random.normal(ks[0], (B, C0, T, V), dtype=jnp.float32)

    def w(k, o, i):
        return jax.random.normal(k, (o, i), dtype=jnp.float32) * (1.0 / np.sqrt(i))

    W1 = w(ks[1], HC * 2, C0)
    b1 = jnp.zeros((HC * 2,), dtype=jnp.float32)
    W2 = w(ks[2], HC, HC * 2)
    b2 = jnp.zeros((HC,), dtype=jnp.float32)
    W3 = w(ks[3], IC, HC)
    b3 = jnp.zeros((IC,), dtype=jnp.float32)
    g1 = jnp.ones((HC * 2,), dtype=jnp.float32)
    be1 = jnp.zeros((HC * 2,), dtype=jnp.float32)
    g2 = jnp.ones((HC,), dtype=jnp.float32)
    be2 = jnp.zeros((HC,), dtype=jnp.float32)
    return {
        'x': x,
        'W1': W1, 'b1': b1, 'g1': g1, 'be1': be1,
        'W2': W2, 'b2': b2, 'g2': g2, 'be2': be2,
        'W3': W3, 'b3': b3,
    }


def reference(x, W1, b1, g1, be1, W2, b2, g2, be2, W3, b3):
    # layer 1: GC -> BN -> LeakyReLU(0.05)
    A = _getgraph(x)
    x = _leaky(_bn(_gc(x, A, W1, b1), g1, be1))
    # layer 2: GC -> BN -> LeakyReLU(0.05)
    A = _getgraph(x)
    x = _leaky(_bn(_gc(x, A, W2, b2), g2, be2))
    # layer 3: GC -> Identity -> Identity
    A = _getgraph(x)
    x = _gc(x, A, W3, b3)
    return x

if __name__ == "__main__":
    import jax
    _d = setup_inputs()
    print(jax.jit(kernel)(*tuple(_d.values())))

</pallas_src>

<mosaic_0001>
module attributes {stable_mosaic.version = 14 : i64} {
  func.func @body(%arg0: i32, %arg1: memref<1x25x150x193xf32, #tpu.memory_space<vmem>>, %arg2: memref<1x3750x193xf32, #tpu.memory_space<vmem>>, %arg3: memref<128x193xf32, #tpu.memory_space<vmem>>, %arg4: memref<1x128xf32, #tpu.memory_space<vmem>>, %arg5: memref<1x3750x128xf32, #tpu.memory_space<vmem>>, %arg6: memref<1x25x25xf32, #tpu.memory_space<vmem>>) attributes {dimension_semantics = [#tpu.dimension_semantics<arbitrary>], iteration_bounds = array<i64: 16>, scalar_prefetch = 0 : i64, scratch_operands = 0 : i64, tpu.core_type = #tpu.core_type<tc>, window_params = [{transform_indices = @transform_0, window_bounds = array<i64: 1, 25, 150, 193>}, {transform_indices = @transform_1, window_bounds = array<i64: 1, 3750, 193>}, {pipeline_mode = #tpu.pipeline_mode<synchronous>, transform_indices = @transform_2, window_bounds = array<i64: 128, 193>}, {pipeline_mode = #tpu.pipeline_mode<synchronous>, transform_indices = @transform_3, window_bounds = array<i64: 1, 128>}, {transform_indices = @transform_4, window_bounds = array<i64: 1, 3750, 128>}, {transform_indices = @transform_5, window_bounds = array<i64: 1, 25, 25>}]} {
    %get3A = arith.constant 0 : index
    %get3A_0 = arith.constant 0 : index
    %get3A_1 = arith.constant 0 : index
    %get3A_2 = arith.constant 0 : index
    %get3A_3 = vector.load %arg1[%get3A, %get3A_0, %get3A_1, %get3A_2] : memref<1x25x150x193xf32, #tpu.memory_space<vmem>>, vector<1x25x150x193xf32>
    %get3A_4 = vector.shape_cast %get3A_3 : vector<1x25x150x193xf32> to vector<25x150x193xf32>
    %reduce_sum3A = arith.constant dense<0.000000e+00> : vector<25x193xf32>
    %reduce_sum3A_5 = vector.multi_reduction <add>, %get3A_4, %reduce_sum3A [1] : vector<25x150x193xf32> to vector<25x193xf32>
    %div3A = arith.constant 1.500000e+02 : f32
    %div3A_6 = vector.broadcast %div3A : f32 to vector<25x193xf32>
    %div3A_7 = arith.divf %reduce_sum3A_5, %div3A_6 : vector<25x193xf32>
    %dot_general3A = arith.constant dense<0.000000e+00> : vector<25x25xf32>
    %dot_general3A_8 = tpu.matmul %div3A_7, %div3A_7, %dot_general3A {dimension_numbers = #tpu.dot_dimension_numbers<[1], [1], [0], [0], [0, 0, 1, 0], [], []>, transpose_lhs_hint = false} : vector<25x193xf32>, vector<25x193xf32>, vector<25x25xf32> -> vector<25x25xf32>
    %mul3A = arith.constant 0.0719815716 : f32
    %mul3A_9 = vector.broadcast %mul3A : f32 to vector<25x25xf32>
    %mul3A_10 = arith.mulf %dot_general3A_8, %mul3A_9 : vector<25x25xf32>
    %reduce_max3A = arith.constant dense<0xFF800000> : vector<25xf32>
    %reduce_max3A_11 = vector.multi_reduction <maximumf>, %mul3A_10, %reduce_max3A [1] : vector<25x25xf32> to vector<25xf32>
    %broadcast_in_dim3A = vector.shape_cast %reduce_max3A_11 : vector<25xf32> to vector<25x1xf32>
    %sub3A = vector.broadcast %broadcast_in_dim3A : vector<25x1xf32> to vector<25x25xf32>
    %sub3A_12 = arith.subf %mul3A_10, %sub3A : vector<25x25xf32>
    %exp3A = math.exp %sub3A_12 : vector<25x25xf32>
    %reduce_sum3A_13 = arith.constant dense<0.000000e+00> : vector<25xf32>
    %reduce_sum3A_14 = vector.multi_reduction <add>, %exp3A, %reduce_sum3A_13 [1] : vector<25x25xf32> to vector<25xf32>
    %broadcast_in_dim3A_15 = vector.shape_cast %reduce_sum3A_14 : vector<25xf32> to vector<25x1xf32>
    %div3A_16 = vector.broadcast %broadcast_in_dim3A_15 : vector<25x1xf32> to vector<25x25xf32>
    %div3A_17 = arith.divf %exp3A, %div3A_16 : vector<25x25xf32>
    %swap3A = arith.constant 0 : index
    %swap3A_18 = arith.constant 0 : index
    %swap3A_19 = arith.constant 0 : index
    %swap3A_20 = vector.load %arg6[%swap3A, %swap3A_18, %swap3A_19] : memref<1x25x25xf32, #tpu.memory_space<vmem>>, vector<1x25x25xf32>
    %swap3A_21 = vector.shape_cast %swap3A_20 : vector<1x25x25xf32> to vector<25x25xf32>
    %swap3A_22 = vector.shape_cast %div3A_17 : vector<25x25xf32> to vector<1x25x25xf32>
    tpu.vector_store %arg6[%swap3A, %swap3A_18, %swap3A_19], %swap3A_22 {strides = array<i32>} : memref<1x25x25xf32, #tpu.memory_space<vmem>>, vector<1x25x25xf32>,
    %get3A_23 = arith.constant 0 : index
    %get3A_24 = arith.constant 0 : index
    %get3A_25 = arith.constant 0 : index
    %get3A_26 = vector.load %arg2[%get3A_23, %get3A_24, %get3A_25] : memref<1x3750x193xf32, #tpu.memory_space<vmem>>, vector<1x3750x193xf32>
    %get3A_27 = vector.shape_cast %get3A_26 : vector<1x3750x193xf32> to vector<3750x193xf32>
    %get3A_28 = arith.constant 0 : index
    %get3A_29 = arith.constant 0 : index
    %get3A_30 = vector.load %arg3[%get3A_28, %get3A_29] : memref<128x193xf32, #tpu.memory_space<vmem>>, vector<128x193xf32>
    %dot_general3A_31 = arith.constant dense<0.000000e+00> : vector<3750x128xf32>
    %dot_general3A_32 = tpu.matmul %get3A_27, %get3A_30, %dot_general3A_31 {dimension_numbers = #tpu.dot_dimension_numbers<[1], [1], [0], [0], [0, 0, 1, 0], [], []>, transpose_lhs_hint = false} : vector<3750x193xf32>, vector<128x193xf32>, vector<3750x128xf32> -> vector<3750x128xf32>
    %get3A_33 = arith.constant 0 : index
    %get3A_34 = arith.constant 0 : index
    %get3A_35 = vector.load %arg4[%get3A_33, %get3A_34] : memref<1x128xf32, #tpu.memory_space<vmem>>, vector<1x128xf32>
    %add3A = vector.broadcast %get3A_35 : vector<1x128xf32> to vector<3750x128xf32>
    %add3A_36 = arith.addf %dot_general3A_32, %add3A : vector<3750x128xf32>
    %swap3A_37 = arith.constant 0 : index
    %swap3A_38 = arith.constant 0 : index
    %swap3A_39 = arith.constant 0 : index
    %swap3A_40 = vector.load %arg5[%swap3A_37, %swap3A_38, %swap3A_39] : memref<1x3750x128xf32, #tpu.memory_space<vmem>>, vector<1x3750x128xf32>
    %swap3A_41 = vector.shape_cast %swap3A_40 : vector<1x3750x128xf32> to vector<3750x128xf32>
    %swap3A_42 = vector.shape_cast %add3A_36 : vector<3750x128xf32> to vector<1x3750x128xf32>
    tpu.vector_store %arg5[%swap3A_37, %swap3A_38, %swap3A_39], %swap3A_42 {strides = array<i32>} : memref<1x3750x128xf32, #tpu.memory_space<vmem>>, vector<1x3750x128xf32>,
    return
  }
  func.func @transform_0(%arg0: i32) -> (i32, i32, i32, i32) {
    %c0_i32 = arith.constant 0 : i32
    %c0_i32_0 = arith.constant 0 : i32
    %c0_i32_1 = arith.constant 0 : i32
    %c0_i32_2 = arith.constant 0 : i32
    return %arg0, %c0_i32, %c0_i32_0, %c0_i32_1 : i32, i32, i32, i32
  }
  func.func @transform_1(%arg0: i32) -> (i32, i32, i32) {
    %c0_i32 = arith.constant 0 : i32
    %c0_i32_0 = arith.constant 0 : i32
    %c0_i32_1 = arith.constant 0 : i32
    return %arg0, %c0_i32, %c0_i32_0 : i32, i32, i32
  }
  func.func @transform_2(%arg0: i32) -> (i32, i32) {
    %c0_i32 = arith.constant 0 : i32
    %c0_i32_0 = arith.constant 0 : i32
    %c0_i32_1 = arith.constant 0 : i32
    return %c0_i32, %c0_i32_0 : i32, i32
  }
  func.func @transform_3(%arg0: i32) -> (i32, i32) {
    %c0_i32 = arith.constant 0 : i32
    %c0_i32_0 = arith.constant 0 : i32
    %c0_i32_1 = arith.constant 0 : i32
    return %c0_i32, %c0_i32_0 : i32, i32
  }
  func.func @transform_4(%arg0: i32) -> (i32, i32, i32) {
    %c0_i32 = arith.constant 0 : i32
    %c0_i32_0 = arith.constant 0 : i32
    %c0_i32_1 = arith.constant 0 : i32
    return %arg0, %c0_i32, %c0_i32_0 : i32, i32, i32
  }
  func.func @transform_5(%arg0: i32) -> (i32, i32, i32) {
    %c0_i32 = arith.constant 0 : i32
    %c0_i32_0 = arith.constant 0 : i32
    %c0_i32_1 = arith.constant 0 : i32
    return %arg0, %c0_i32, %c0_i32_0 : i32, i32, i32
  }
}

module attributes {stable_mosaic.version = 14 : i64} {
  func.func @body(%arg0: i32, %arg1: memref<1x25x19200xf32, #tpu.memory_space<vmem>>, %arg2: memref<1x25x25xf32, #tpu.memory_space<vmem>>, %arg3: memref<1x25x19200xf32, #tpu.memory_space<vmem>>) attributes {dimension_semantics = [#tpu.dimension_semantics<arbitrary>], iteration_bounds = array<i64: 16>, scalar_prefetch = 0 : i64, scratch_operands = 0 : i64, tpu.core_type = #tpu.core_type<tc>, window_params = [{transform_indices = @transform_0, window_bounds = array<i64: 1, 25, 19200>}, {transform_indices = @transform_1, window_bounds = array<i64: 1, 25, 25>}, {transform_indices = @transform_2, window_bounds = array<i64: 1, 25, 19200>}]} {
    %get3A = arith.constant 0 : index
    %get3A_0 = arith.constant 0 : index
    %get3A_1 = arith.constant 0 : index
    %get3A_2 = vector.load %arg2[%get3A, %get3A_0, %get3A_1] : memref<1x25x25xf32, #tpu.memory_space<vmem>>, vector<1x25x25xf32>
    %get3A_3 = vector.shape_cast %get3A_2 : vector<1x25x25xf32> to vector<25x25xf32>
    %get3A_4 = arith.constant 0 : index
    %get3A_5 = arith.constant 0 : index
    %get3A_6 = arith.constant 0 : index
    %get3A_7 = vector.load %arg1[%get3A_4, %get3A_5, %get3A_6] : memref<1x25x19200xf32, #tpu.memory_space<vmem>>, vector<1x25x19200xf32>
    %get3A_8 = vector.shape_cast %get3A_7 : vector<1x25x19200xf32> to vector<25x19200xf32>
    %dot_general3A = arith.constant dense<0.000000e+00> : vector<25x19200xf32>
    %dot_general3A_9 = tpu.matmul %get3A_3, %get3A_8, %dot_general3A {dimension_numbers = #tpu.dot_dimension_numbers<[0], [0], [1], [1], [0, 1, 1, 1], [], []>, transpose_lhs_hint = false} : vector<25x25xf32>, vector<25x19200xf32>, vector<25x19200xf32> -> vector<25x19200xf32>
    %swap3A = arith.constant 0 : index
    %swap3A_10 = arith.constant 0 : index
    %swap3A_11 = arith.constant 0 : index
    %swap3A_12 = vector.load %arg3[%swap3A, %swap3A_10, %swap3A_11] : memref<1x25x19200xf32, #tpu.memory_space<vmem>>, vector<1x25x19200xf32>
    %swap3A_13 = vector.shape_cast %swap3A_12 : vector<1x25x19200xf32> to vector<25x19200xf32>
    %swap3A_14 = vector.shape_cast %dot_general3A_9 : vector<25x19200xf32> to vector<1x25x19200xf32>
    tpu.vector_store %arg3[%swap3A, %swap3A_10, %swap3A_11], %swap3A_14 {strides = array<i32>} : memref<1x25x19200xf32, #tpu.memory_space<vmem>>, vector<1x25x19200xf32>,
    return
  }
  func.func @transform_0(%arg0: i32) -> (i32, i32, i32) {
    %c0_i32 = arith.constant 0 : i32
    %c0_i32_0 = arith.constant 0 : i32
    %c0_i32_1 = arith.constant 0 : i32
    return %arg0, %c0_i32, %c0_i32_0 : i32, i32, i32
  }
  func.func @transform_1(%arg0: i32) -> (i32, i32, i32) {
    %c0_i32 = arith.constant 0 : i32
    %c0_i32_0 = arith.constant 0 : i32
    %c0_i32_1 = arith.constant 0 : i32
    return %arg0, %c0_i32, %c0_i32_0 : i32, i32, i32
  }
  func.func @transform_2(%arg0: i32) -> (i32, i32, i32) {
    %c0_i32 = arith.constant 0 : i32
    %c0_i32_0 = arith.constant 0 : i32
    %c0_i32_1 = arith.constant 0 : i32
    return %arg0, %c0_i32, %c0_i32_0 : i32, i32, i32
  }
}

module attributes {stable_mosaic.version = 14 : i64} {
  func.func @body(%arg0: i32, %arg1: i32, %arg2: memref<1x3750x128xf32, #tpu.memory_space<vmem>>, %arg3: memref<1x25x150x128xf32, #tpu.memory_space<vmem>>, %arg4: memref<1x128xf32, #tpu.memory_space<vmem>>, %arg5: memref<1x128xf32, #tpu.memory_space<vmem>>, %arg6: memref<64x128xf32, #tpu.memory_space<vmem>>, %arg7: memref<1x64xf32, #tpu.memory_space<vmem>>, %arg8: memref<1x3750x64xf32, #tpu.memory_space<vmem>>, %arg9: memref<1x25x25xf32, #tpu.memory_space<vmem>>, %arg10: memref<8x128xf32, #tpu.memory_space<vmem>>) attributes {dimension_semantics = [#tpu.dimension_semantics<arbitrary>, #tpu.dimension_semantics<arbitrary>], iteration_bounds = array<i64: 2, 16>, scalar_prefetch = 0 : i64, scratch_operands = 1 : i64, tpu.core_type = #tpu.core_type<tc>, window_params = [{transform_indices = @transform_0, window_bounds = array<i64: 1, 3750, 128>}, {transform_indices = @transform_1, window_bounds = array<i64: 1, 25, 150, 128>}, {pipeline_mode = #tpu.pipeline_mode<synchronous>, transform_indices = @transform_2, window_bounds = array<i64: 1, 128>}, {pipeline_mode = #tpu.pipeline_mode<synchronous>, transform_indices = @transform_3, window_bounds = array<i64: 1, 128>}, {pipeline_mode = #tpu.pipeline_mode<synchronous>, transform_indices = @transform_4, window_bounds = array<i64: 64, 128>}, {pipeline_mode = #tpu.pipeline_mode<synchronous>, transform_indices = @transform_5, window_bounds = array<i64: 1, 64>}, {transform_indices = @transform_6, window_bounds = array<i64: 1, 3750, 64>}, {transform_indices = @transform_7, window_bounds = array<i64: 1, 25, 25>}]} {
    %eq3A = arith.constant 0 : i32
    %eq3A_0 = arith.cmpi eq, %arg0, %eq3A : i32
    %eq3A_1 = arith.constant 0 : i32
    %eq3A_2 = arith.cmpi eq, %arg1, %eq3A_1 : i32
    %and3A = arith.andi %eq3A_0, %eq3A_2 : i1
    %convert_element_type3A = arith.extui %and3A : i1 to i32
    %cond3A = arith.constant 0 : i32
    %cond3A_3 = arith.cmpi ne, %convert_element_type3A, %cond3A : i32
    scf.if %cond3A_3 {
      %broadcast_in_dim3A = arith.constant 0.000000e+00 : f32
      %broadcast_in_dim3A_14 = vector.broadcast %broadcast_in_dim3A : f32 to vector<8x128xf32>
      %swap3A = arith.constant 0 : index
      %swap3A_15 = arith.constant 0 : index
      %swap3A_16 = vector.load %arg10[%swap3A, %swap3A_15] : memref<8x128xf32, #tpu.memory_space<vmem>>, vector<8x128xf32>
      tpu.vector_store %arg10[%swap3A, %swap3A_15], %broadcast_in_dim3A_14 {strides = array<i32>} : memref<8x128xf32, #tpu.memory_space<vmem>>, vector<8x128xf32>,
    } else {
    }
    %eq3A_4 = arith.constant 0 : i32
    %eq3A_5 = arith.cmpi eq, %arg0, %eq3A_4 : i32
    %convert_element_type3A_6 = arith.extui %eq3A_5 : i1 to i32
    %cond3A_7 = arith.constant 0 : i32
    %cond3A_8 = arith.cmpi ne, %convert_element_type3A_6, %cond3A_7 : i32
    scf.if %cond3A_8 {
      %get3A = arith.constant 0 : index
      %get3A_14 = arith.constant 0 : index
      %get3A_15 = arith.constant 0 : index
      %get3A_16 = vector.load %arg2[%get3A, %get3A_14, %get3A_15] : memref<1x3750x128xf32, #tpu.memory_space<vmem>>, vector<1x3750x128xf32>
      %get3A_17 = vector.shape_cast %get3A_16 : vector<1x3750x128xf32> to vector<3750x128xf32>
      %get3A_18 = arith.constant 0 : index
      %get3A_19 = arith.constant 0 : index
      %get3A_20 = vector.load %arg10[%get3A_18, %get3A_19] : memref<8x128xf32, #tpu.memory_space<vmem>>, vector<1x128xf32>
      %reduce_sum3A = arith.constant dense<0.000000e+00> : vector<128xf32>
      %reduce_sum3A_21 = vector.multi_reduction <add>, %get3A_17, %reduce_sum3A [0] : vector<3750x128xf32> to vector<128xf32>
      %broadcast_in_dim3A = vector.shape_cast %reduce_sum3A_21 : vector<128xf32> to vector<1x128xf32>
      %add3A = arith.addf %get3A_20, %broadcast_in_dim3A : vector<1x128xf32>
      %swap3A = arith.constant 0 : index
      %swap3A_22 = arith.constant 0 : index
      %swap3A_23 = vector.load %arg10[%swap3A, %swap3A_22] : memref<8x128xf32, #tpu.memory_space<vmem>>, vector<1x128xf32>
      tpu.vector_store %arg10[%swap3A, %swap3A_22], %add3A {strides = array<i32>} : memref<8x128xf32, #tpu.memory_space<vmem>>, vector<1x128xf32>,
      %get3A_24 = arith.constant 1 : index
      %get3A_25 = arith.constant 0 : index
      %get3A_26 = vector.load %arg10[%get3A_24, %get3A_25] : memref<8x128xf32, #tpu.memory_space<vmem>>, vector<1x128xf32>
      %mul3A = arith.mulf %get3A_17, %get3A_17 : vector<3750x128xf32>
      %reduce_sum3A_27 = arith.constant dense<0.000000e+00> : vector<128xf32>
      %reduce_sum3A_28 = vector.multi_reduction <add>, %mul3A, %reduce_sum3A_27 [0] : vector<3750x128xf32> to vector<128xf32>
      %broadcast_in_dim3A_29 = vector.shape_cast %reduce_sum3A_28 : vector<128xf32> to vector<1x128xf32>
      %add3A_30 = arith.addf %get3A_26, %broadcast_in_dim3A_29 : vector<1x128xf32>
      %swap3A_31 = arith.constant 1 : index
      %swap3A_32 = arith.constant 0 : index
      %swap3A_33 = vector.load %arg10[%swap3A_31, %swap3A_32] : memref<8x128xf32, #tpu.memory_space<vmem>>, vector<1x128xf32>
      tpu.vector_store %arg10[%swap3A_31, %swap3A_32], %add3A_30 {strides = array<i32>} : memref<8x128xf32, #tpu.memory_space<vmem>>, vector<1x128xf32>,
    } else {
    }
    %eq3A_9 = arith.constant 1 : i32
    %eq3A_10 = arith.cmpi eq, %arg0, %eq3A_9 : i32
    %convert_element_type3A_11 = arith.extui %eq3A_10 : i1 to i32
    %cond3A_12 = arith.constant 0 : i32
    %cond3A_13 = arith.cmpi ne, %convert_element_type3A_11, %cond3A_12 : i32
    scf.if %cond3A_13 {
      %get3A = arith.constant 0 : index
      %get3A_14 = arith.constant 0 : index
      %get3A_15 = vector.load %arg10[%get3A, %get3A_14] : memref<8x128xf32, #tpu.memory_space<vmem>>, vector<1x128xf32>
      %mul3A = arith.constant 1.66666669E-5 : f32
      %mul3A_16 = vector.broadcast %mul3A : f32 to vector<1x128xf32>
      %mul3A_17 = arith.mulf %get3A_15, %mul3A_16 : vector<1x128xf32>
      %get3A_18 = arith.constant 1 : index
      %get3A_19 = arith.constant 0 : index
      %get3A_20 = vector.load %arg10[%get3A_18, %get3A_19] : memref<8x128xf32, #tpu.memory_space<vmem>>, vector<1x128xf32>
      %mul3A_21 = arith.constant 1.66666669E-5 : f32
      %mul3A_22 = vector.broadcast %mul3A_21 : f32 to vector<1x128xf32>
      %mul3A_23 = arith.mulf %get3A_20, %mul3A_22 : vector<1x128xf32>
      %mul3A_24 = arith.mulf %mul3A_17, %mul3A_17 : vector<1x128xf32>
      %sub3A = arith.subf %mul3A_23, %mul3A_24 : vector<1x128xf32>
      %add3A = arith.constant 9.99999974E-6 : f32
      %add3A_25 = vector.broadcast %add3A : f32 to vector<1x128xf32>
      %add3A_26 = arith.addf %sub3A, %add3A_25 : vector<1x128xf32>
      %rsqrt3A = math.rsqrt %add3A_26 : vector<1x128xf32>
      %get3A_27 = arith.constant 0 : index
      %get3A_28 = arith.constant 0 : index
      %get3A_29 = vector.load %arg4[%get3A_27, %get3A_28] : memref<1x128xf32, #tpu.memory_space<vmem>>, vector<1x128xf32>
      %mul3A_30 = arith.mulf %get3A_29, %rsqrt3A : vector<1x128xf32>
      %get3A_31 = arith.constant 0 : index
      %get3A_32 = arith.constant 0 : index
      %get3A_33 = vector.load %arg5[%get3A_31, %get3A_32] : memref<1x128xf32, #tpu.memory_space<vmem>>, vector<1x128xf32>
      %mul3A_34 = arith.mulf %mul3A_17, %mul3A_30 : vector<1x128xf32>
      %sub3A_35 = arith.subf %get3A_33, %mul3A_34 : vector<1x128xf32>
      %get3A_36 = arith.constant 0 : index
      %get3A_37 = arith.constant 0 : index
      %get3A_38 = arith.constant 0 : index
      %get3A_39 = vector.load %arg2[%get3A_36, %get3A_37, %get3A_38] : memref<1x3750x128xf32, #tpu.memory_space<vmem>>, vector<1x3750x128xf32>
      %get3A_40 = vector.shape_cast %get3A_39 : vector<1x3750x128xf32> to vector<3750x128xf32>
      %mul3A_41 = vector.broadcast %mul3A_30 : vector<1x128xf32> to vector<3750x128xf32>
      %mul3A_42 = arith.mulf %get3A_40, %mul3A_41 : vector<3750x128xf32>
      %add3A_43 = vector.broadcast %sub3A_35 : vector<1x128xf32> to vector<3750x128xf32>
      %add3A_44 = arith.addf %mul3A_42, %add3A_43 : vector<3750x128xf32>
      %ge3A = arith.constant 0.000000e+00 : f32
      %ge3A_45 = vector.broadcast %ge3A : f32 to vector<3750x128xf32>
      %ge3A_46 = arith.cmpf oge, %add3A_44, %ge3A_45 : vector<3750x128xf32>
      %mul3A_47 = arith.constant 5.000000e-02 : f32
      %mul3A_48 = vector.broadcast %mul3A_47 : f32 to vector<3750x128xf32>
      %mul3A_49 = arith.mulf %mul3A_48, %add3A_44 : vector<3750x128xf32>
      %select_n3A = arith.select %ge3A_46, %add3A_44, %mul3A_49 : vector<3750x128xi1>, vector<3750x128xf32>
      %get3A_50 = arith.constant 0 : index
      %get3A_51 = arith.constant 0 : index
      %get3A_52 = vector.load %arg6[%get3A_50, %get3A_51] : memref<64x128xf32, #tpu.memory_space<vmem>>, vector<64x128xf32>
      %dot_general3A = arith.constant dense<0.000000e+00> : vector<3750x64xf32>
      %dot_general3A_53 = tpu.matmul %select_n3A, %get3A_52, %dot_general3A {dimension_numbers = #tpu.dot_dimension_numbers<[1], [1], [0], [0], [0, 0, 1, 0], [], []>, transpose_lhs_hint = false} : vector<3750x128xf32>, vector<64x128xf32>, vector<3750x64xf32> -> vector<3750x64xf32>
      %get3A_54 = arith.constant 0 : index
      %get3A_55 = arith.constant 0 : index
      %get3A_56 = vector.load %arg7[%get3A_54, %get3A_55] : memref<1x64xf32, #tpu.memory_space<vmem>>, vector<1x64xf32>
      %add3A_57 = vector.broadcast %get3A_56 : vector<1x64xf32> to vector<3750x64xf32>
      %add3A_58 = arith.addf %dot_general3A_53, %add3A_57 : vector<3750x64xf32>
      %swap3A = arith.constant 0 : index
      %swap3A_59 = arith.constant 0 : index
      %swap3A_60 = arith.constant 0 : index
      %swap3A_61 = vector.load %arg8[%swap3A, %swap3A_59, %swap3A_60] : memref<1x3750x64xf32, #tpu.memory_space<vmem>>, vector<1x3750x64xf32>
      %swap3A_62 = vector.shape_cast %swap3A_61 : vector<1x3750x64xf32> to vector<3750x64xf32>
      %swap3A_63 = vector.shape_cast %add3A_58 : vector<3750x64xf32> to vector<1x3750x64xf32>
      tpu.vector_store %arg8[%swap3A, %swap3A_59, %swap3A_60], %swap3A_63 {strides = array<i32>} : memref<1x3750x64xf32, #tpu.memory_space<vmem>>, vector<1x3750x64xf32>,
      %get3A_64 = arith.constant 0 : index
      %get3A_65 = arith.constant 0 : index
      %get3A_66 = arith.constant 0 : index
      %get3A_67 = arith.constant 0 : index
      %get3A_68 = vector.load %arg3[%get3A_64, %get3A_65, %get3A_66, %get3A_67] : memref<1x25x150x128xf32, #tpu.memory_space<vmem>>, vector<1x25x150x128xf32>
      %get3A_69 = vector.shape_cast %get3A_68 : vector<1x25x150x128xf32> to vector<25x150x128xf32>
      %broadcast_in_dim3A = vector.shape_cast %mul3A_30 : vector<1x128xf32> to vector<1x1x128xf32>
      %mul3A_70 = vector.broadcast %broadcast_in_dim3A : vector<1x1x128xf32> to vector<25x150x128xf32>
      %mul3A_71 = arith.mulf %get3A_69, %mul3A_70 : vector<25x150x128xf32>
      %broadcast_in_dim3A_72 = vector.shape_cast %sub3A_35 : vector<1x128xf32> to vector<1x1x128xf32>
      %add3A_73 = vector.broadcast %broadcast_in_dim3A_72 : vector<1x1x128xf32> to vector<25x150x128xf32>
      %add3A_74 = arith.addf %mul3A_71, %add3A_73 : vector<25x150x128xf32>
      %ge3A_75 = arith.constant 0.000000e+00 : f32
      %ge3A_76 = vector.broadcast %ge3A_75 : f32 to vector<25x150x128xf32>
      %ge3A_77 = arith.cmpf oge, %add3A_74, %ge3A_76 : vector<25x150x128xf32>
      %mul3A_78 = arith.constant 5.000000e-02 : f32
      %mul3A_79 = vector.broadcast %mul3A_78 : f32 to vector<25x150x128xf32>
      %mul3A_80 = arith.mulf %mul3A_79, %add3A_74 : vector<25x150x128xf32>
      %select_n3A_81 = arith.select %ge3A_77, %add3A_74, %mul3A_80 : vector<25x150x128xi1>, vector<25x150x128xf32>
      %reduce_sum3A = arith.constant dense<0.000000e+00> : vector<25x128xf32>
      %reduce_sum3A_82 = vector.multi_reduction <add>, %select_n3A_81, %reduce_sum3A [1] : vector<25x150x128xf32> to vector<25x128xf32>
      %div3A = arith.constant 1.500000e+02 : f32
      %div3A_83 = vector.broadcast %div3A : f32 to vector<25x128xf32>
      %div3A_84 = arith.divf %reduce_sum3A_82, %div3A_83 : vector<25x128xf32>
      %dot_general3A_85 = arith.constant dense<0.000000e+00> : vector<25x25xf32>
      %dot_general3A_86 = tpu.matmul %div3A_84, %div3A_84, %dot_general3A_85 {dimension_numbers = #tpu.dot_dimension_numbers<[1], [1], [0], [0], [0, 0, 1, 0], [], []>, transpose_lhs_hint = false} : vector<25x128xf32>, vector<25x128xf32>, vector<25x25xf32> -> vector<25x25xf32>
      %mul3A_87 = arith.constant 0.0883883461 : f32
      %mul3A_88 = vector.broadcast %mul3A_87 : f32 to vector<25x25xf32>
      %mul3A_89 = arith.mulf %dot_general3A_86, %mul3A_88 : vector<25x25xf32>
      %reduce_max3A = arith.constant dense<0xFF800000> : vector<25xf32>
      %reduce_max3A_90 = vector.multi_reduction <maximumf>, %mul3A_89, %reduce_max3A [1] : vector<25x25xf32> to vector<25xf32>
      %broadcast_in_dim3A_91 = vector.shape_cast %reduce_max3A_90 : vector<25xf32> to vector<25x1xf32>
      %sub3A_92 = vector.broadcast %broadcast_in_dim3A_91 : vector<25x1xf32> to vector<25x25xf32>
      %sub3A_93 = arith.subf %mul3A_89, %sub3A_92 : vector<25x25xf32>
      %exp3A = math.exp %sub3A_93 : vector<25x25xf32>
      %reduce_sum3A_94 = arith.constant dense<0.000000e+00> : vector<25xf32>
      %reduce_sum3A_95 = vector.multi_reduction <add>, %exp3A, %reduce_sum3A_94 [1] : vector<25x25xf32> to vector<25xf32>
      %broadcast_in_dim3A_96 = vector.shape_cast %reduce_sum3A_95 : vector<25xf32> to vector<25x1xf32>
      %div3A_97 = vector.broadcast %broadcast_in_dim3A_96 : vector<25x1xf32> to vector<25x25xf32>
      %div3A_98 = arith.divf %exp3A, %div3A_97 : vector<25x25xf32>
      %swap3A_99 = arith.constant 0 : index
      %swap3A_100 = arith.constant 0 : index
      %swap3A_101 = arith.constant 0 : index
      %swap3A_102 = vector.load %arg9[%swap3A_99, %swap3A_100, %swap3A_101] : memref<1x25x25xf32, #tpu.memory_space<vmem>>, vector<1x25x25xf32>
      %swap3A_103 = vector.shape_cast %swap3A_102 : vector<1x25x25xf32> to vector<25x25xf32>
      %swap3A_104 = vector.shape_cast %div3A_98 : vector<25x25xf32> to vector<1x25x25xf32>
      tpu.vector_store %arg9[%swap3A_99, %swap3A_100, %swap3A_101], %swap3A_104 {strides = array<i32>} : memref<1x25x25xf32, #tpu.memory_space<vmem>>, vector<1x25x25xf32>,
    } else {
    }
    return
  }
  func.func @transform_0(%arg0: i32, %arg1: i32) -> (i32, i32, i32) {
    %c0_i32 = arith.constant 0 : i32
    %c0_i32_0 = arith.constant 0 : i32
    %c0_i32_1 = arith.constant 0 : i32
    return %arg1, %c0_i32, %c0_i32_0 : i32, i32, i32
  }
  func.func @transform_1(%arg0: i32, %arg1: i32) -> (i32, i32, i32, i32) {
    %c0_i32 = arith.constant 0 : i32
    %c0_i32_0 = arith.constant 0 : i32
    %c0_i32_1 = arith.constant 0 : i32
    %c0_i32_2 = arith.constant 0 : i32
    return %arg1, %c0_i32, %c0_i32_0, %c0_i32_1 : i32, i32, i32, i32
  }
  func.func @transform_2(%arg0: i32, %arg1: i32) -> (i32, i32) {
    %c0_i32 = arith.constant 0 : i32
    %c0_i32_0 = arith.constant 0 : i32
    %c0_i32_1 = arith.constant 0 : i32
    return %c0_i32, %c0_i32_0 : i32, i32
  }
  func.func @transform_3(%arg0: i32, %arg1: i32) -> (i32, i32) {
    %c0_i32 = arith.constant 0 : i32
    %c0_i32_0 = arith.constant 0 : i32
    %c0_i32_1 = arith.constant 0 : i32
    return %c0_i32, %c0_i32_0 : i32, i32
  }
  func.func @transform_4(%arg0: i32, %arg1: i32) -> (i32, i32) {
    %c0_i32 = arith.constant 0 : i32
    %c0_i32_0 = arith.constant 0 : i32
    %c0_i32_1 = arith.constant 0 : i32
    return %c0_i32, %c0_i32_0 : i32, i32
  }
  func.func @transform_5(%arg0: i32, %arg1: i32) -> (i32, i32) {
    %c0_i32 = arith.constant 0 : i32
    %c0_i32_0 = arith.constant 0 : i32
    %c0_i32_1 = arith.constant 0 : i32
    return %c0_i32, %c0_i32_0 : i32, i32
  }
  func.func @transform_6(%arg0: i32, %arg1: i32) -> (i32, i32, i32) {
    %c0_i32 = arith.constant 0 : i32
    %c0_i32_0 = arith.constant 0 : i32
    %c0_i32_1 = arith.constant 0 : i32
    return %arg1, %c0_i32, %c0_i32_0 : i32, i32, i32
  }
  func.func @transform_7(%arg0: i32, %arg1: i32) -> (i32, i32, i32) {
    %c0_i32 = arith.constant 0 : i32
    %c0_i32_0 = arith.constant 0 : i32
    %c0_i32_1 = arith.constant 0 : i32
    return %arg1, %c0_i32, %c0_i32_0 : i32, i32, i32
  }
}

module attributes {stable_mosaic.version = 14 : i64} {
  func.func @body(%arg0: i32, %arg1: memref<1x25x9600xf32, #tpu.memory_space<vmem>>, %arg2: memref<1x25x25xf32, #tpu.memory_space<vmem>>, %arg3: memref<1x25x9600xf32, #tpu.memory_space<vmem>>) attributes {dimension_semantics = [#tpu.dimension_semantics<arbitrary>], iteration_bounds = array<i64: 16>, scalar_prefetch = 0 : i64, scratch_operands = 0 : i64, tpu.core_type = #tpu.core_type<tc>, window_params = [{transform_indices = @transform_0, window_bounds = array<i64: 1, 25, 9600>}, {transform_indices = @transform_1, window_bounds = array<i64: 1, 25, 25>}, {transform_indices = @transform_2, window_bounds = array<i64: 1, 25, 9600>}]} {
    %get3A = arith.constant 0 : index
    %get3A_0 = arith.constant 0 : index
    %get3A_1 = arith.constant 0 : index
    %get3A_2 = vector.load %arg2[%get3A, %get3A_0, %get3A_1] : memref<1x25x25xf32, #tpu.memory_space<vmem>>, vector<1x25x25xf32>
    %get3A_3 = vector.shape_cast %get3A_2 : vector<1x25x25xf32> to vector<25x25xf32>
    %get3A_4 = arith.constant 0 : index
    %get3A_5 = arith.constant 0 : index
    %get3A_6 = arith.constant 0 : index
    %get3A_7 = vector.load %arg1[%get3A_4, %get3A_5, %get3A_6] : memref<1x25x9600xf32, #tpu.memory_space<vmem>>, vector<1x25x9600xf32>
    %get3A_8 = vector.shape_cast %get3A_7 : vector<1x25x9600xf32> to vector<25x9600xf32>
    %dot_general3A = arith.constant dense<0.000000e+00> : vector<25x9600xf32>
    %dot_general3A_9 = tpu.matmul %get3A_3, %get3A_8, %dot_general3A {dimension_numbers = #tpu.dot_dimension_numbers<[0], [0], [1], [1], [0, 1, 1, 1], [], []>, transpose_lhs_hint = false} : vector<25x25xf32>, vector<25x9600xf32>, vector<25x9600xf32> -> vector<25x9600xf32>
    %swap3A = arith.constant 0 : index
    %swap3A_10 = arith.constant 0 : index
    %swap3A_11 = arith.constant 0 : index
    %swap3A_12 = vector.load %arg3[%swap3A, %swap3A_10, %swap3A_11] : memref<1x25x9600xf32, #tpu.memory_space<vmem>>, vector<1x25x9600xf32>
    %swap3A_13 = vector.shape_cast %swap3A_12 : vector<1x25x9600xf32> to vector<25x9600xf32>
    %swap3A_14 = vector.shape_cast %dot_general3A_9 : vector<25x9600xf32> to vector<1x25x9600xf32>
    tpu.vector_store %arg3[%swap3A, %swap3A_10, %swap3A_11], %swap3A_14 {strides = array<i32>} : memref<1x25x9600xf32, #tpu.memory_space<vmem>>, vector<1x25x9600xf32>,
    return
  }
  func.func @transform_0(%arg0: i32) -> (i32, i32, i32) {
    %c0_i32 = arith.constant 0 : i32
    %c0_i32_0 = arith.constant 0 : i32
    %c0_i32_1 = arith.constant 0 : i32
    return %arg0, %c0_i32, %c0_i32_0 : i32, i32, i32
  }
  func.func @transform_1(%arg0: i32) -> (i32, i32, i32) {
    %c0_i32 = arith.constant 0 : i32
    %c0_i32_0 = arith.constant 0 : i32
    %c0_i32_1 = arith.constant 0 : i32
    return %arg0, %c0_i32, %c0_i32_0 : i32, i32, i32
  }
  func.func @transform_2(%arg0: i32) -> (i32, i32, i32) {
    %c0_i32 = arith.constant 0 : i32
    %c0_i32_0 = arith.constant 0 : i32
    %c0_i32_1 = arith.constant 0 : i32
    return %arg0, %c0_i32, %c0_i32_0 : i32, i32, i32
  }
}

module attributes {stable_mosaic.version = 14 : i64} {
  func.func @body(%arg0: i32, %arg1: i32, %arg2: memref<1x3750x64xf32, #tpu.memory_space<vmem>>, %arg3: memref<1x25x150x64xf32, #tpu.memory_space<vmem>>, %arg4: memref<1x64xf32, #tpu.memory_space<vmem>>, %arg5: memref<1x64xf32, #tpu.memory_space<vmem>>, %arg6: memref<3x64xf32, #tpu.memory_space<vmem>>, %arg7: memref<1x3xf32, #tpu.memory_space<vmem>>, %arg8: memref<1x3750x3xf32, #tpu.memory_space<vmem>>, %arg9: memref<1x25x25xf32, #tpu.memory_space<vmem>>, %arg10: memref<8x64xf32, #tpu.memory_space<vmem>>) attributes {dimension_semantics = [#tpu.dimension_semantics<arbitrary>, #tpu.dimension_semantics<arbitrary>], iteration_bounds = array<i64: 2, 16>, scalar_prefetch = 0 : i64, scratch_operands = 1 : i64, tpu.core_type = #tpu.core_type<tc>, window_params = [{transform_indices = @transform_0, window_bounds = array<i64: 1, 3750, 64>}, {transform_indices = @transform_1, window_bounds = array<i64: 1, 25, 150, 64>}, {pipeline_mode = #tpu.pipeline_mode<synchronous>, transform_indices = @transform_2, window_bounds = array<i64: 1, 64>}, {pipeline_mode = #tpu.pipeline_mode<synchronous>, transform_indices = @transform_3, window_bounds = array<i64: 1, 64>}, {pipeline_mode = #tpu.pipeline_mode<synchronous>, transform_indices = @transform_4, window_bounds = array<i64: 3, 64>}, {pipeline_mode = #tpu.pipeline_mode<synchronous>, transform_indices = @transform_5, window_bounds = array<i64: 1, 3>}, {transform_indices = @transform_6, window_bounds = array<i64: 1, 3750, 3>}, {transform_indices = @transform_7, window_bounds = array<i64: 1, 25, 25>}]} {
    %eq3A = arith.constant 0 : i32
    %eq3A_0 = arith.cmpi eq, %arg0, %eq3A : i32
    %eq3A_1 = arith.constant 0 : i32
    %eq3A_2 = arith.cmpi eq, %arg1, %eq3A_1 : i32
    %and3A = arith.andi %eq3A_0, %eq3A_2 : i1
    %convert_element_type3A = arith.extui %and3A : i1 to i32
    %cond3A = arith.constant 0 : i32
    %cond3A_3 = arith.cmpi ne, %convert_element_type3A, %cond3A : i32
    scf.if %cond3A_3 {
      %broadcast_in_dim3A = arith.constant 0.000000e+00 : f32
      %broadcast_in_dim3A_14 = vector.broadcast %broadcast_in_dim3A : f32 to vector<8x64xf32>
      %swap3A = arith.constant 0 : index
      %swap3A_15 = arith.constant 0 : index
      %swap3A_16 = vector.load %arg10[%swap3A, %swap3A_15] : memref<8x64xf32, #tpu.memory_space<vmem>>, vector<8x64xf32>
      tpu.vector_store %arg10[%swap3A, %swap3A_15], %broadcast_in_dim3A_14 {strides = array<i32>} : memref<8x64xf32, #tpu.memory_space<vmem>>, vector<8x64xf32>,
    } else {
    }
    %eq3A_4 = arith.constant 0 : i32
    %eq3A_5 = arith.cmpi eq, %arg0, %eq3A_4 : i32
    %convert_element_type3A_6 = arith.extui %eq3A_5 : i1 to i32
    %cond3A_7 = arith.constant 0 : i32
    %cond3A_8 = arith.cmpi ne, %convert_element_type3A_6, %cond3A_7 : i32
    scf.if %cond3A_8 {
      %get3A = arith.constant 0 : index
      %get3A_14 = arith.constant 0 : index
      %get3A_15 = arith.constant 0 : index
      %get3A_16 = vector.load %arg2[%get3A, %get3A_14, %get3A_15] : memref<1x3750x64xf32, #tpu.memory_space<vmem>>, vector<1x3750x64xf32>
      %get3A_17 = vector.shape_cast %get3A_16 : vector<1x3750x64xf32> to vector<3750x64xf32>
      %get3A_18 = arith.constant 0 : index
      %get3A_19 = arith.constant 0 : index
      %get3A_20 = vector.load %arg10[%get3A_18, %get3A_19] : memref<8x64xf32, #tpu.memory_space<vmem>>, vector<1x64xf32>
      %reduce_sum3A = arith.constant dense<0.000000e+00> : vector<64xf32>
      %reduce_sum3A_21 = vector.multi_reduction <add>, %get3A_17, %reduce_sum3A [0] : vector<3750x64xf32> to vector<64xf32>
      %broadcast_in_dim3A = vector.shape_cast %reduce_sum3A_21 : vector<64xf32> to vector<1x64xf32>
      %add3A = arith.addf %get3A_20, %broadcast_in_dim3A : vector<1x64xf32>
      %swap3A = arith.constant 0 : index
      %swap3A_22 = arith.constant 0 : index
      %swap3A_23 = vector.load %arg10[%swap3A, %swap3A_22] : memref<8x64xf32, #tpu.memory_space<vmem>>, vector<1x64xf32>
      tpu.vector_store %arg10[%swap3A, %swap3A_22], %add3A {strides = array<i32>} : memref<8x64xf32, #tpu.memory_space<vmem>>, vector<1x64xf32>,
      %get3A_24 = arith.constant 1 : index
      %get3A_25 = arith.constant 0 : index
      %get3A_26 = vector.load %arg10[%get3A_24, %get3A_25] : memref<8x64xf32, #tpu.memory_space<vmem>>, vector<1x64xf32>
      %mul3A = arith.mulf %get3A_17, %get3A_17 : vector<3750x64xf32>
      %reduce_sum3A_27 = arith.constant dense<0.000000e+00> : vector<64xf32>
      %reduce_sum3A_28 = vector.multi_reduction <add>, %mul3A, %reduce_sum3A_27 [0] : vector<3750x64xf32> to vector<64xf32>
      %broadcast_in_dim3A_29 = vector.shape_cast %reduce_sum3A_28 : vector<64xf32> to vector<1x64xf32>
      %add3A_30 = arith.addf %get3A_26, %broadcast_in_dim3A_29 : vector<1x64xf32>
      %swap3A_31 = arith.constant 1 : index
      %swap3A_32 = arith.constant 0 : index
      %swap3A_33 = vector.load %arg10[%swap3A_31, %swap3A_32] : memref<8x64xf32, #tpu.memory_space<vmem>>, vector<1x64xf32>
      tpu.vector_store %arg10[%swap3A_31, %swap3A_32], %add3A_30 {strides = array<i32>} : memref<8x64xf32, #tpu.memory_space<vmem>>, vector<1x64xf32>,
    } else {
    }
    %eq3A_9 = arith.constant 1 : i32
    %eq3A_10 = arith.cmpi eq, %arg0, %eq3A_9 : i32
    %convert_element_type3A_11 = arith.extui %eq3A_10 : i1 to i32
    %cond3A_12 = arith.constant 0 : i32
    %cond3A_13 = arith.cmpi ne, %convert_element_type3A_11, %cond3A_12 : i32
    scf.if %cond3A_13 {
      %get3A = arith.constant 0 : index
      %get3A_14 = arith.constant 0 : index
      %get3A_15 = vector.load %arg10[%get3A, %get3A_14] : memref<8x64xf32, #tpu.memory_space<vmem>>, vector<1x64xf32>
      %mul3A = arith.constant 1.66666669E-5 : f32
      %mul3A_16 = vector.broadcast %mul3A : f32 to vector<1x64xf32>
      %mul3A_17 = arith.mulf %get3A_15, %mul3A_16 : vector<1x64xf32>
      %get3A_18 = arith.constant 1 : index
      %get3A_19 = arith.constant 0 : index
      %get3A_20 = vector.load %arg10[%get3A_18, %get3A_19] : memref<8x64xf32, #tpu.memory_space<vmem>>, vector<1x64xf32>
      %mul3A_21 = arith.constant 1.66666669E-5 : f32
      %mul3A_22 = vector.broadcast %mul3A_21 : f32 to vector<1x64xf32>
      %mul3A_23 = arith.mulf %get3A_20, %mul3A_22 : vector<1x64xf32>
      %mul3A_24 = arith.mulf %mul3A_17, %mul3A_17 : vector<1x64xf32>
      %sub3A = arith.subf %mul3A_23, %mul3A_24 : vector<1x64xf32>
      %add3A = arith.constant 9.99999974E-6 : f32
      %add3A_25 = vector.broadcast %add3A : f32 to vector<1x64xf32>
      %add3A_26 = arith.addf %sub3A, %add3A_25 : vector<1x64xf32>
      %rsqrt3A = math.rsqrt %add3A_26 : vector<1x64xf32>
      %get3A_27 = arith.constant 0 : index
      %get3A_28 = arith.constant 0 : index
      %get3A_29 = vector.load %arg4[%get3A_27, %get3A_28] : memref<1x64xf32, #tpu.memory_space<vmem>>, vector<1x64xf32>
      %mul3A_30 = arith.mulf %get3A_29, %rsqrt3A : vector<1x64xf32>
      %get3A_31 = arith.constant 0 : index
      %get3A_32 = arith.constant 0 : index
      %get3A_33 = vector.load %arg5[%get3A_31, %get3A_32] : memref<1x64xf32, #tpu.memory_space<vmem>>, vector<1x64xf32>
      %mul3A_34 = arith.mulf %mul3A_17, %mul3A_30 : vector<1x64xf32>
      %sub3A_35 = arith.subf %get3A_33, %mul3A_34 : vector<1x64xf32>
      %get3A_36 = arith.constant 0 : index
      %get3A_37 = arith.constant 0 : index
      %get3A_38 = arith.constant 0 : index
      %get3A_39 = vector.load %arg2[%get3A_36, %get3A_37, %get3A_38] : memref<1x3750x64xf32, #tpu.memory_space<vmem>>, vector<1x3750x64xf32>
      %get3A_40 = vector.shape_cast %get3A_39 : vector<1x3750x64xf32> to vector<3750x64xf32>
      %mul3A_41 = vector.broadcast %mul3A_30 : vector<1x64xf32> to vector<3750x64xf32>
      %mul3A_42 = arith.mulf %get3A_40, %mul3A_41 : vector<3750x64xf32>
      %add3A_43 = vector.broadcast %sub3A_35 : vector<1x64xf32> to vector<3750x64xf32>
      %add3A_44 = arith.addf %mul3A_42, %add3A_43 : vector<3750x64xf32>
      %ge3A = arith.constant 0.000000e+00 : f32
      %ge3A_45 = vector.broadcast %ge3A : f32 to vector<3750x64xf32>
      %ge3A_46 = arith.cmpf oge, %add3A_44, %ge3A_45 : vector<3750x64xf32>
      %mul3A_47 = arith.constant 5.000000e-02 : f32
      %mul3A_48 = vector.broadcast %mul3A_47 : f32 to vector<3750x64xf32>
      %mul3A_49 = arith.mulf %mul3A_48, %add3A_44 : vector<3750x64xf32>
      %select_n3A = arith.select %ge3A_46, %add3A_44, %mul3A_49 : vector<3750x64xi1>, vector<3750x64xf32>
      %get3A_50 = arith.constant 0 : index
      %get3A_51 = arith.constant 0 : index
      %get3A_52 = vector.load %arg6[%get3A_50, %get3A_51] : memref<3x64xf32, #tpu.memory_space<vmem>>, vector<3x64xf32>
      %dot_general3A = arith.constant dense<0.000000e+00> : vector<3750x3xf32>
      %dot_general3A_53 = tpu.matmul %select_n3A, %get3A_52, %dot_general3A {dimension_numbers = #tpu.dot_dimension_numbers<[1], [1], [0], [0], [0, 0, 1, 0], [], []>, transpose_lhs_hint = false} : vector<3750x64xf32>, vector<3x64xf32>, vector<3750x3xf32> -> vector<3750x3xf32>
      %get3A_54 = arith.constant 0 : index
      %get3A_55 = arith.constant 0 : index
      %get3A_56 = vector.load %arg7[%get3A_54, %get3A_55] : memref<1x3xf32, #tpu.memory_space<vmem>>, vector<1x3xf32>
      %add3A_57 = vector.broadcast %get3A_56 : vector<1x3xf32> to vector<3750x3xf32>
      %add3A_58 = arith.addf %dot_general3A_53, %add3A_57 : vector<3750x3xf32>
      %swap3A = arith.constant 0 : index
      %swap3A_59 = arith.constant 0 : index
      %swap3A_60 = arith.constant 0 : index
      %swap3A_61 = vector.load %arg8[%swap3A, %swap3A_59, %swap3A_60] : memref<1x3750x3xf32, #tpu.memory_space<vmem>>, vector<1x3750x3xf32>
      %swap3A_62 = vector.shape_cast %swap3A_61 : vector<1x3750x3xf32> to vector<3750x3xf32>
      %swap3A_63 = vector.shape_cast %add3A_58 : vector<3750x3xf32> to vector<1x3750x3xf32>
      tpu.vector_store %arg8[%swap3A, %swap3A_59, %swap3A_60], %swap3A_63 {strides = array<i32>} : memref<1x3750x3xf32, #tpu.memory_space<vmem>>, vector<1x3750x3xf32>,
      %get3A_64 = arith.constant 0 : index
      %get3A_65 = arith.constant 0 : index
      %get3A_66 = arith.constant 0 : index
      %get3A_67 = arith.constant 0 : index
      %get3A_68 = vector.load %arg3[%get3A_64, %get3A_65, %get3A_66, %get3A_67] : memref<1x25x150x64xf32, #tpu.memory_space<vmem>>, vector<1x25x150x64xf32>
      %get3A_69 = vector.shape_cast %get3A_68 : vector<1x25x150x64xf32> to vector<25x150x64xf32>
      %broadcast_in_dim3A = vector.shape_cast %mul3A_30 : vector<1x64xf32> to vector<1x1x64xf32>
      %mul3A_70 = vector.broadcast %broadcast_in_dim3A : vector<1x1x64xf32> to vector<25x150x64xf32>
      %mul3A_71 = arith.mulf %get3A_69, %mul3A_70 : vector<25x150x64xf32>
      %broadcast_in_dim3A_72 = vector.shape_cast %sub3A_35 : vector<1x64xf32> to vector<1x1x64xf32>
      %add3A_73 = vector.broadcast %broadcast_in_dim3A_72 : vector<1x1x64xf32> to vector<25x150x64xf32>
      %add3A_74 = arith.addf %mul3A_71, %add3A_73 : vector<25x150x64xf32>
      %ge3A_75 = arith.constant 0.000000e+00 : f32
      %ge3A_76 = vector.broadcast %ge3A_75 : f32 to vector<25x150x64xf32>
      %ge3A_77 = arith.cmpf oge, %add3A_74, %ge3A_76 : vector<25x150x64xf32>
      %mul3A_78 = arith.constant 5.000000e-02 : f32
      %mul3A_79 = vector.broadcast %mul3A_78 : f32 to vector<25x150x64xf32>
      %mul3A_80 = arith.mulf %mul3A_79, %add3A_74 : vector<25x150x64xf32>
      %select_n3A_81 = arith.select %ge3A_77, %add3A_74, %mul3A_80 : vector<25x150x64xi1>, vector<25x150x64xf32>
      %reduce_sum3A = arith.constant dense<0.000000e+00> : vector<25x64xf32>
      %reduce_sum3A_82 = vector.multi_reduction <add>, %select_n3A_81, %reduce_sum3A [1] : vector<25x150x64xf32> to vector<25x64xf32>
      %div3A = arith.constant 1.500000e+02 : f32
      %div3A_83 = vector.broadcast %div3A : f32 to vector<25x64xf32>
      %div3A_84 = arith.divf %reduce_sum3A_82, %div3A_83 : vector<25x64xf32>
      %dot_general3A_85 = arith.constant dense<0.000000e+00> : vector<25x25xf32>
      %dot_general3A_86 = tpu.matmul %div3A_84, %div3A_84, %dot_general3A_85 {dimension_numbers = #tpu.dot_dimension_numbers<[1], [1], [0], [0], [0, 0, 1, 0], [], []>, transpose_lhs_hint = false} : vector<25x64xf32>, vector<25x64xf32>, vector<25x25xf32> -> vector<25x25xf32>
      %mul3A_87 = arith.constant 1.250000e-01 : f32
      %mul3A_88 = vector.broadcast %mul3A_87 : f32 to vector<25x25xf32>
      %mul3A_89 = arith.mulf %dot_general3A_86, %mul3A_88 : vector<25x25xf32>
      %reduce_max3A = arith.constant dense<0xFF800000> : vector<25xf32>
      %reduce_max3A_90 = vector.multi_reduction <maximumf>, %mul3A_89, %reduce_max3A [1] : vector<25x25xf32> to vector<25xf32>
      %broadcast_in_dim3A_91 = vector.shape_cast %reduce_max3A_90 : vector<25xf32> to vector<25x1xf32>
      %sub3A_92 = vector.broadcast %broadcast_in_dim3A_91 : vector<25x1xf32> to vector<25x25xf32>
      %sub3A_93 = arith.subf %mul3A_89, %sub3A_92 : vector<25x25xf32>
      %exp3A = math.exp %sub3A_93 : vector<25x25xf32>
      %reduce_sum3A_94 = arith.constant dense<0.000000e+00> : vector<25xf32>
      %reduce_sum3A_95 = vector.multi_reduction <add>, %exp3A, %reduce_sum3A_94 [1] : vector<25x25xf32> to vector<25xf32>
      %broadcast_in_dim3A_96 = vector.shape_cast %reduce_sum3A_95 : vector<25xf32> to vector<25x1xf32>
      %div3A_97 = vector.broadcast %broadcast_in_dim3A_96 : vector<25x1xf32> to vector<25x25xf32>
      %div3A_98 = arith.divf %exp3A, %div3A_97 : vector<25x25xf32>
      %swap3A_99 = arith.constant 0 : index
      %swap3A_100 = arith.constant 0 : index
      %swap3A_101 = arith.constant 0 : index
      %swap3A_102 = vector.load %arg9[%swap3A_99, %swap3A_100, %swap3A_101] : memref<1x25x25xf32, #tpu.memory_space<vmem>>, vector<1x25x25xf32>
      %swap3A_103 = vector.shape_cast %swap3A_102 : vector<1x25x25xf32> to vector<25x25xf32>
      %swap3A_104 = vector.shape_cast %div3A_98 : vector<25x25xf32> to vector<1x25x25xf32>
      tpu.vector_store %arg9[%swap3A_99, %swap3A_100, %swap3A_101], %swap3A_104 {strides = array<i32>} : memref<1x25x25xf32, #tpu.memory_space<vmem>>, vector<1x25x25xf32>,
    } else {
    }
    return
  }
  func.func @transform_0(%arg0: i32, %arg1: i32) -> (i32, i32, i32) {
    %c0_i32 = arith.constant 0 : i32
    %c0_i32_0 = arith.constant 0 : i32
    %c0_i32_1 = arith.constant 0 : i32
    return %arg1, %c0_i32, %c0_i32_0 : i32, i32, i32
  }
  func.func @transform_1(%arg0: i32, %arg1: i32) -> (i32, i32, i32, i32) {
    %c0_i32 = arith.constant 0 : i32
    %c0_i32_0 = arith.constant 0 : i32
    %c0_i32_1 = arith.constant 0 : i32
    %c0_i32_2 = arith.constant 0 : i32
    return %arg1, %c0_i32, %c0_i32_0, %c0_i32_1 : i32, i32, i32, i32
  }
  func.func @transform_2(%arg0: i32, %arg1: i32) -> (i32, i32) {
    %c0_i32 = arith.constant 0 : i32
    %c0_i32_0 = arith.constant 0 : i32
    %c0_i32_1 = arith.constant 0 : i32
    return %c0_i32, %c0_i32_0 : i32, i32
  }
  func.func @transform_3(%arg0: i32, %arg1: i32) -> (i32, i32) {
    %c0_i32 = arith.constant 0 : i32
    %c0_i32_0 = arith.constant 0 : i32
    %c0_i32_1 = arith.constant 0 : i32
    return %c0_i32, %c0_i32_0 : i32, i32
  }
  func.func @transform_4(%arg0: i32, %arg1: i32) -> (i32, i32) {
    %c0_i32 = arith.constant 0 : i32
    %c0_i32_0 = arith.constant 0 : i32
    %c0_i32_1 = arith.constant 0 : i32
    return %c0_i32, %c0_i32_0 : i32, i32
  }
  func.func @transform_5(%arg0: i32, %arg1: i32) -> (i32, i32) {
    %c0_i32 = arith.constant 0 : i32
    %c0_i32_0 = arith.constant 0 : i32
    %c0_i32_1 = arith.constant 0 : i32
    return %c0_i32, %c0_i32_0 : i32, i32
  }
  func.func @transform_6(%arg0: i32, %arg1: i32) -> (i32, i32, i32) {
    %c0_i32 = arith.constant 0 : i32
    %c0_i32_0 = arith.constant 0 : i32
    %c0_i32_1 = arith.constant 0 : i32
    return %arg1, %c0_i32, %c0_i32_0 : i32, i32, i32
  }
  func.func @transform_7(%arg0: i32, %arg1: i32) -> (i32, i32, i32) {
    %c0_i32 = arith.constant 0 : i32
    %c0_i32_0 = arith.constant 0 : i32
    %c0_i32_1 = arith.constant 0 : i32
    return %arg1, %c0_i32, %c0_i32_0 : i32, i32, i32
  }
}

module attributes {stable_mosaic.version = 14 : i64} {
  func.func @body(%arg0: i32, %arg1: memref<1x25x450xf32, #tpu.memory_space<vmem>>, %arg2: memref<1x25x25xf32, #tpu.memory_space<vmem>>, %arg3: memref<1x25x450xf32, #tpu.memory_space<vmem>>) attributes {dimension_semantics = [#tpu.dimension_semantics<arbitrary>], iteration_bounds = array<i64: 16>, scalar_prefetch = 0 : i64, scratch_operands = 0 : i64, tpu.core_type = #tpu.core_type<tc>, window_params = [{transform_indices = @transform_0, window_bounds = array<i64: 1, 25, 450>}, {transform_indices = @transform_1, window_bounds = array<i64: 1, 25, 25>}, {transform_indices = @transform_2, window_bounds = array<i64: 1, 25, 450>}]} {
    %get3A = arith.constant 0 : index
    %get3A_0 = arith.constant 0 : index
    %get3A_1 = arith.constant 0 : index
    %get3A_2 = vector.load %arg2[%get3A, %get3A_0, %get3A_1] : memref<1x25x25xf32, #tpu.memory_space<vmem>>, vector<1x25x25xf32>
    %get3A_3 = vector.shape_cast %get3A_2 : vector<1x25x25xf32> to vector<25x25xf32>
    %get3A_4 = arith.constant 0 : index
    %get3A_5 = arith.constant 0 : index
    %get3A_6 = arith.constant 0 : index
    %get3A_7 = vector.load %arg1[%get3A_4, %get3A_5, %get3A_6] : memref<1x25x450xf32, #tpu.memory_space<vmem>>, vector<1x25x450xf32>
    %get3A_8 = vector.shape_cast %get3A_7 : vector<1x25x450xf32> to vector<25x450xf32>
    %dot_general3A = arith.constant dense<0.000000e+00> : vector<25x450xf32>
    %dot_general3A_9 = tpu.matmul %get3A_3, %get3A_8, %dot_general3A {dimension_numbers = #tpu.dot_dimension_numbers<[0], [0], [1], [1], [0, 1, 1, 1], [], []>, transpose_lhs_hint = false} : vector<25x25xf32>, vector<25x450xf32>, vector<25x450xf32> -> vector<25x450xf32>
    %swap3A = arith.constant 0 : index
    %swap3A_10 = arith.constant 0 : index
    %swap3A_11 = arith.constant 0 : index
    %swap3A_12 = vector.load %arg3[%swap3A, %swap3A_10, %swap3A_11] : memref<1x25x450xf32, #tpu.memory_space<vmem>>, vector<1x25x450xf32>
    %swap3A_13 = vector.shape_cast %swap3A_12 : vector<1x25x450xf32> to vector<25x450xf32>
    %swap3A_14 = vector.shape_cast %dot_general3A_9 : vector<25x450xf32> to vector<1x25x450xf32>
    tpu.vector_store %arg3[%swap3A, %swap3A_10, %swap3A_11], %swap3A_14 {strides = array<i32>} : memref<1x25x450xf32, #tpu.memory_space<vmem>>, vector<1x25x450xf32>,
    return
  }
  func.func @transform_0(%arg0: i32) -> (i32, i32, i32) {
    %c0_i32 = arith.constant 0 : i32
    %c0_i32_0 = arith.constant 0 : i32
    %c0_i32_1 = arith.constant 0 : i32
    return %arg0, %c0_i32, %c0_i32_0 : i32, i32, i32
  }
  func.func @transform_1(%arg0: i32) -> (i32, i32, i32) {
    %c0_i32 = arith.constant 0 : i32
    %c0_i32_0 = arith.constant 0 : i32
    %c0_i32_1 = arith.constant 0 : i32
    return %arg0, %c0_i32, %c0_i32_0 : i32, i32, i32
  }
  func.func @transform_2(%arg0: i32) -> (i32, i32, i32) {
    %c0_i32 = arith.constant 0 : i32
    %c0_i32_0 = arith.constant 0 : i32
    %c0_i32_1 = arith.constant 0 : i32
    return %arg0, %c0_i32, %c0_i32_0 : i32, i32, i32
  }
}

</mosaic_0001>

<sc_bundles>
// kernel: sparse-core-data-format-call.cloned.1.call-start
scs
called_computation_lowered:
.L_overlay_start_0:
0x0: {  	s2 =	sld [smem:$0x3FD9]  }
0x1: {  	s3 =	sld [smem:$0x3FFE];
	_ =	sdelay $0x1  }
0x2: {  	s1 =	srdreg.scid  }
0x3: {  	s0 =	sand.u32 $0x1, s1  }
0x4: {  	s18 =	sshll.u32 s0, $0xA;
	s2 =	sadd.s32 s3, s2  }
0x5: {  	s2 =	sadd.s32 s2, s18  }
0x6: {  	[smem:$0x3FBD] =	sst s2  }
0x7: {  	_ = 	snop  }
0x8: {  	s2 =	sld [smem:$0x3FC9];
	(tm) =	ssettm $0x1  }
0x9: {  	s19 =	sld [smem:$0x3FFB];
	_ =	sdelay $0x3  }
0xa: {  	_ =	strace s19  }
0xb: {  	s3 =	sld [smem:$0x3FFC];
	_ =	sdelay $0x3  }
0xc: {  	_ =	strace s3  }
0xd: {  	s3 =	sld [smem:$0x3FFD];
	_ =	sdelay $0x3  }
0xe: {  	_ =	strace s3  }
0xf: {  	_ =	strace $0x8FFFFFFF  }
0x10: {  	s20 =	sld [smem:$0x3FDB];
	_ =	sdelay $0x1  }
0x11: {  	s4 =	simm.s32 $_scs_section_size  }
0x12: {  	s5 =	simm.s32 $_size__tile_overlayer_lowered;
	s6 =	simm.s32 $_tile_overlayer_lowered  }
0x13: {  	s23 =	simm.s32 $0x1BFF;
	s22 =	sshll.u32 s6, $0x1;
	s3 =	sadd.s32 s4, s20  }
0x14: {  	s7 =	simm.s32 $0x0;
	s21 =	sshll.u32 s5, $0x1;
	s5 =	sadd.s32 s22, s3  }
0x15: {  	[timem:s7], [sflag:s23] =	dma.local [hbm:s5], s21  }
0x16: {  	_ =	swait.ge [sflag:s23], s21  }
0x17: {  	s4 =	ssub.s32 $0x0, s21;
	[sflag:s23] =	ssyncset.done $0x0  }
0x18: {  	[sflag:s23] =	ssyncadd.s32 s4;
	_ =	sdelay $0x1  }
0x19: {  	s24 =	simm.s32 $0x1B8B  }
0x1a: {  	_ =	swait.ge [sflag:s24], $0x1  }
0x1b: {  	[sflag:s24] =	ssyncset.done $0x0  }
0x1c: {  	s26 =	simm.s32 $0x1B8E;
	s25 =	sld [smem:$0x3FFE];
	[sflag:s24] =	ssyncadd.s32 $0xFFFFFFFF  }
0x1d: {  	s27 =	simm.s32 $execute0_lowered;
	[smem:$0x3FD2] =	sst s26  }
0x1e: {  	s5 =	sshll.u32 s27, $0x1;
	_ =	strace $0x80000046;
	[dreg:$0x1] =	wrdreg $0xFFFFFFFF  }
0x1f: {  	s28 =	simm.s32 $_size_execute0_lowered;
	s3 =	sadd.s32 s3, s5;
	[dreg:$0x0] =	wrdreg $0x0  }
0x20: {  	s5 =	sshll.u32 s28, $0x1;
	[dreg:$0x2] =	wrdreg s3  }
0x21: {  	[dreg:$0x3] =	wrdreg s5  }
0x22: {  	[dreg:$0x4] =	wrdreg $0xC0  }
0x23: {  	_ =	task [dreg:s7], $0x5FFFF  }
0x24: {  	[dreg:$0x1] =	wrdreg $0xFFFFFFFF  }
0x25: {  	[dreg:$0x0] =	wrdreg $0x60  }
0x26: {  	[dreg:$0x2] =	wrdreg s2  }
0x27: {  	[dreg:$0x3] =	wrdreg s25  }
0x28: {  	[dreg:$0x4] =	wrdreg $0x9  }
0x29: {  	_ =	task.clear_ibuf [dreg:s7], $0x5FFFF;
	_ =	strace $0x90000046  }
0x2a: {  	s29 =	simm.s32 $0x9;
	_ =	strace $0x80000048  }
0x2b: {  	_ =	swait.ge [sflag:s29], $0x1  }
0x2c: {  	[sflag:s29] =	ssyncadd.s32 $0xFFFFFFFF  }
0x2d: {  	_ =	strace $0x90000048  }
0x2e: {  	_ =	sfence  }
0x2f: {  	s30 =	sld [smem:$0x0];
	_ =	sdelay $0x2  }
0x30: {  	s31 =	sshll.u32 s1, $0xD;
	s1 =	sshrl.u32 s1, $0x2  }
0x31: {  	s3 =	sand.u32 $0x4000, s31;
	s1 =	sadd.s32 s1, s30  }
0x32: {  	s0 =	sor.u32 s3, s0;
	s1 =	sshll.u32 s1, $0x11  }
0x33: {  	s0 =	sor.u32 s1, s0  }
0x34: {  	s0 =	sadd.s32 $0x8F2B, s0  }
0x35: {  	[sflag:s0] =	ssyncadd.remote.s32 $0x1  }
0x36: {  	_ =	sfence.sel $0xFFFF  }
0x37: {  	[dreg:$0x0] =	wrdreg $0xFFFFFFFF;
	(pc) =	sbr.abs _section_cstart, $3  }
0x38: {  	[dreg:$0x1] =	wrdreg $0xFFFFFFFF  }
0x39: {  	_ =	task.clear_ibuf [dreg:s7], $0x2FFFF;
	_ =	strace $0x9FFFFFFF  }
0x3a: {  	(tm) =	ssettm $0x7FFFFFFF  }
0x3b: {  	_ =	shalt  }
tec
execute0_lowered:
.L_overlay_start_1:
0x0: {  	(tag) =	ssettag $0x1  }
0x1: {  	s0 =	srdreg.scid;
	s1 =	rddreg [dreg:$0x0]  }
0x2: {  	s2 =	stileid.u32;
	s3 =	rddreg [dreg:$0x1]  }
0x3: {  	_ =	strace $0x80000047;
	s29 =	simm.s32 $0x1;
	s0 =	sshll.u32 s0, $0x4  }
0x4: {  	s4 =	simm.s32 $0x2;
	s15 =	simm.s32 $0x0;
	s0 =	sand.u32 $0x10, s0  }
0x5: {  	s16 =	simm.s32 $0x0;
	s28 =	sadd.s32 $0x1E00, s3;
	s5 =	sor.u32 s2, s0  }
0x6: {  	s11 =	simm.s32 $0x0;
	[dreg:$0x4] =	wrdreg s28;
	s0 =	ssub.s32 $0x19, s5  }
0x7: {  	s30 =	smax.u32 s5, $0x18;
	s31 =	sshll.u32 s5, $0x9;
	p0 =	sgt.s32 s0, $0x0  }
0x8: {  	[dreg:$0x3] =	wrdreg s5;
	s3 =	sshll.u32 s30, $0xC;
	s0 =	simm.s32 @!p0 $0x0  }
0x9: {  	s8 =	sadd.s32 s1, s31;
	p0 =	sgt.u32 s5, $0x18;
	s0 =	sadd.s32 $0x1F, s0  }
.Ltmp0:
0xa: {  	s7 =	ssub.s32 $0x19000, s3;
	s0 =	sshrl.u32 s0, $0x5;
	(pc) =	sbr.rel .LBB1_1-.Ltmp0, $4  }
0xb: {  	[dreg:$0x7] =	wrdreg s8;
	s7 =	simm.s32 @p0 $0x0;
	s6 =	smul.u32 $0x26, s0  }
0xc: {  	s13 =	simm.s32 $0x0;
	s12 =	simm.s32 $0x0;
	[dreg:$0x6] =	wrdreg s7  }
0xd: {  	[sflag:s29] =	ssyncpa.u1 $0x0;
	s10 =	sor.u32 $0x1, s6;
	[dreg:$0x5] =	wrdreg s6  }
0xe: {  	s14 =	simm.s32 $0x0;
	[sflag:s4] =	ssyncpa.u1 $0x0;
	[dreg:$0x8] =	wrdreg s10  }
.LBB1_9:
0xf: {  	s11 =	rddreg [dreg:$0x9]  }
0x10: {  	s13 =	rddreg [dreg:$0xb]  }
0x11: {  	s2 =	rddreg [dreg:$0x4]  }
0x12: {  	s30 =	rddreg [dreg:$0x12]  }
0x13: {  	s3 =	rddreg [dreg:$0xf]  }
0x14: {  	s5 =	rddreg [dreg:$0x3]  }
0x15: {  	s6 =	rddreg [dreg:$0x5]  }
0x16: {  	s7 =	rddreg [dreg:$0x6]  }
0x17: {  	s8 =	rddreg [dreg:$0x7]  }
0x18: {  	s10 =	rddreg [dreg:$0x8]  }
0x19: {  	s12 =	rddreg [dreg:$0xa]  }
0x1a: {  	s14 =	rddreg [dreg:$0xc];
	s0 =	smul.u32 $0x12C00, s11;
	s1 =	sshll.u32 s13, $0x9  }
0x1b: {  	s31 =	simm.s32 $0x0;
	s15 =	rddreg [dreg:$0xd];
	s1 =	sadd.s32 s2, s1  }
0x1c: {  	s16 =	rddreg [dreg:$0xe];
	s2 =	sor.u32 $0x8000, s30;
	s0 =	sadd.s32 s0, s1  }
0x1d: {  	[hbm4b:s0+s31] =	stream.linear.scatter [tilespmem:s2], [sflag:$0x2], s3, $0x38;
	[tilespmem:$0x10000] =	vst v63  }
.LBB1_10:
0x1e: {  	p0 =	slt.u32 s14, $0x2  }
0x1f: {  	p1 =	sgt.s32 @!p0 s16, $0x92  }
0x20: {  	s0 =	smov.u32 s16;
	s1 =	sshra.s32 @!p0 s16, $0x1F;
	p1 =	por !p1, p0  }
0x21: {  	p2 =	sgt.s32 @!p0 s15, $0x18;
	s1 =	sand.u32 @!p0 s1, s16;
	s0 =	simm.s32 @p1 $0x92  }
0x22: {  	p1 =	por !p2, p0;
	s0 =	ssub.s32 @!p0 s0, s1  }
0x23: {  	s15 =	simm.s32 @p1 $0x18;
	s1 =	sadd.s32 @!p0 $0xFFFFFF6E, s0  }
0x24: {  	s2 =	sadd.s32 $0x4, s12;
	p2 =	sgt.s32 @!p0 s1, $0x3;
	s1 =	sshll.u32 @!p0 s15, $0xC  }
0x25: {  	s0 =	ssub.s32 @!p0 $0x96, s0;
	p2 =	por !p2, p0;
	s1 =	ssub.s32 @!p0 $0x19000, s1  }
0x26: {  	s0 =	simm.s32 @!p2 $0x0;
	s1 =	simm.s32 @!p1 $0x0;
	p1 =	sgt.s32 s2, $0x95  }
0x27: {  	s0 =	smul.u32 @!p0 s0, s1;
	s2 =	simm.s32 @p1 $0x0;
	p1 =	sne.s32 s14, s10  }
.Ltmp1:
0x28: {  	s3 =	sadd.s32 $0x1, s14;
	(pc) =	sbr.rel @!p1 .LBB1_11-.Ltmp1, $4  }
0x29: {  	s16 =	smov.u32 s13;
	s1 =	simm.s32 @!p0 $0x2;
	s0 =	sand.u32 @!p0 $0x3FFFF000, s0  }
0x2a: {  	s13 =	smov.u32 s12;
	s15 =	smov.u32 s11;
	_ =	swait.ge @!p0 [sflag:s1], s0  }
0x2b: {  	s11 =	smov.u32 s5;
	s0 =	ssub.s32 @!p0 $0x0, s0;
	[sflag:s1] =	ssyncset.done @!p0 $0x0  }
0x2c: {  	s14 =	smov.u32 s3;
	s12 =	smov.u32 s2;
	[sflag:s1] =	ssyncadd.s32 @!p0 s0  }
.LBB1_1:
0x2d: {  	p0 =	sge.u32 s14, s6  }
0x2e: {  	p1 =	sgt.s32 @!p0 s12, $0x92  }
0x2f: {  	s0 =	smov.u32 s12;
	s1 =	sshra.s32 @!p0 s12, $0x1F;
	p1 =	por !p1, p0  }
0x30: {  	s1 =	sand.u32 @!p0 s1, s12;
	s0 =	simm.s32 @p1 $0x92  }
0x31: {  	s0 =	ssub.s32 @!p0 s0, s1  }
0x32: {  	s1 =	sadd.s32 @!p0 $0xFFFFFF6E, s0  }
0x33: {  	p1 =	sgt.s32 @!p0 s1, $0x3  }
0x34: {  	s0 =	ssub.s32 @!p0 $0x96, s0;
	p1 =	por !p1, p0  }
0x35: {  	s3 =	smul.u32 @!p0 $0x3200, s12;
	s0 =	simm.s32 @!p1 $0x0  }
0x36: {  	s31 =	sadd.s32 $0xFFFFFFFF, s14;
	s1 =	sxor.u32 @!p0 $0xFFFFFFFF, s14;
	s0 =	smul.u32 @!p0 s0, s7  }
0x37: {  	s4 =	simm.s32 @!p0 $0x1000;
	s9 =	simm.s32 @!p0 $0x19000;
	s1 =	sshll.u32 @!p0 s1, $0xE  }
0x38: {  	s3 =	sadd.s32 @!p0 s3, s8;
	s1 =	sand.u32 @!p0 $0x4000, s1;
	s0 =	sand.u32 @!p0 $0x3FFFF000, s0  }
0x39: {  	[tilespmem:s1], [sflag:$0x1] =	stream.strided.gather @!p0 [hbm4b:s3+s4], s0, s9, s4, $0x38;
	[tilespmem:$0x10000] =	vst v63  }
0x3a: {  	p0 =	sge.u32 s31, s6  }
.Ltmp2:
0x3b: {  	_ = 	snop;
	(pc) =	sbr.rel @p0 .LBB1_10-.Ltmp2, $1  }
0x3c: {  	_ =	sdelay $0x3  }
0x3d: {  	p0 =	sgt.s32 s13, $0x92;
	s0 =	smov.u32 s13;
	s1 =	sshra.s32 s13, $0x1F  }
0x3e: {  	p1 =	sgt.u32 s11, $0x18;
	s0 =	simm.s32 @!p0 $0x92;
	s1 =	sand.u32 s1, s13  }
0x3f: {  	p0 =	sgt.s32 s11, $0x18;
	s0 =	ssub.s32 s0, s1;
	s1 =	smov.u32 s11  }
0x40: {  	s3 =	sadd.s32 $0xFFFFFF6E, s0;
	s1 =	simm.s32 @!p0 $0x18;
	s0 =	ssub.s32 $0x96, s0  }
0x41: {  	p0 =	sgt.s32 s3, $0x3;
	s1 =	sshll.u32 s1, $0xC;
	s3 =	sadd.s32 $0x4, s13  }
0x42: {  	s1 =	ssub.s32 $0x19000, s1;
	s0 =	simm.s32 @p0 $0x0;
	p0 =	slt.s32 s3, $0x96  }
0x43: {  	[dreg:$0xe] =	wrdreg s16;
	s1 =	simm.s32 @p1 $0x0;
	s3 =	simm.s32 @!p0 $0x96  }
0x44: {  	p0 =	slt.s32 s11, $0x18;
	s0 =	smul.u32 s0, s1;
	s1 =	smov.u32 s11  }
0x45: {  	[dreg:$0xd] =	wrdreg s15;
	s2 =	ssub.s32 s3, s13;
	s1 =	simm.s32 @!p0 $0x18  }
0x46: {  	[dreg:$0xa] =	wrdreg s12;
	p0 =	slt.s32 s2, $0x1;
	s1 =	ssub.s32 s1, s11  }
0x47: {  	[dreg:$0xb] =	wrdreg s13;
	p1 =	sgt.u32 @!p0 s1, $0x7FFFFFFE  }
0x48: {  	[dreg:$0x9] =	wrdreg s11;
	p1 =	por p0, p1  }
.Ltmp3:
0x49: {  	[dreg:$0x10] =	wrdreg s2;
	s28 =	sand.u32 $0x3FFFF000, s0;
	(pc) =	sbr.rel @p1 .LBB1_9-.Ltmp3, $4  }
0x4a: {  	s29 =	simm.s32 $0x1;
	s30 =	sshll.u32 s14, $0xE;
	[dreg:$0xf] =	wrdreg s28  }
0x4b: {  	s31 =	sand.u32 $0x4000, s30;
	_ =	swait.ge [sflag:s29], s28;
	[dreg:$0x11] =	wrdreg s1  }
0x4c: {  	s0 =	ssub.s32 $0x0, s28;
	[dreg:$0xc] =	wrdreg s14;
	[sflag:s29] =	ssyncset.done $0x0  }
0x4d: {  	[dreg:$0x12] =	wrdreg s31;
	[sflag:s29] =	ssyncadd.s32 s0  }
0x4e: {  	s0 =	rddreg [dreg:$0x12]  }
0x4f: {  	s0 =	sor.u32 @!p0 $0x8000, s0  }
0x50: {  	s2 =	simm.s32 $0x0;
	[dreg:$0x13] =	wrdreg s0  }
.LBB1_4:
0x51: {  	s0 =	sshll.u32 s2, $0xE  }
0x52: {  	s1 =	rddreg [dreg:$0x13];
	s0 =	sshra.s32 s0, $0x2  }
0x53: {  	[dreg:$0x14] =	wrdreg s2;
	s0 =	sadd.s32 s0, s1  }
0x54: {  	s23 =	simm.s32 $0x0;
	[dreg:$0x15] =	wrdreg s0  }
.LBB1_5:
0x55: {  	s0 =	sadd.s32 s2, s23;
	s1 =	simm.s32 $0x0;
	s13 =	rddreg [dreg:$0x12]  }
0x56: {  	s3 =	sshll.u32 s23, $0x10;
	s16 =	rddreg [dreg:$0x15];
	s0 =	sshll.u32 s0, $0xE  }
0x57: {  	s4 =	sand.u32 $0x800, s1;
	s9 =	sand.u32 $0x380, s1;
	s14 =	sshra.s32 s3, $0x2  }
0x58: {  	s0 =	sshra.s32 s0, $0x2;
	s15 =	sor.u32 s9, s4;
	s24 =	sadd.s32 s14, s16  }
0x59: {  	s25 =	sadd.s32 s0, s13;
	s0 =	sand.u32 $0x80, s1;
	s1 =	sand.u32 $0xB00, s15  }
0x5a: {  	s4 =	sor.u32 $0x410, s15;
	s9 =	sor.u32 $0x440, s15;
	s26 =	sor.u32 $0x420, s15  }
0x5b: {  	s3 =	sor.u32 $0x430, s15;
	s27 =	sand.u32 $0xF00, s9;
	s28 =	sor.u32 $0x400, s1  }
0x5c: {  	s9 =	sand.u32 $0xC0, s9;
	s30 =	sand.u32 $0xF00, s4;
	s31 =	sand.u32 $0xF00, s26  }
0x5d: {  	s6 =	sand.u32 $0xF00, s3;
	s2 =	sadd.s32 s1, s25;
	s4 =	sand.u32 $0x90, s4  }
0x5e: {  	s26 =	sand.u32 $0xA0, s26;
	s3 =	sand.u32 $0xB0, s3;
	s15 =	sor.u32 $0x10, s0  }
0x5f: {  	s10 =	sor.u32 $0x20, s0;
	s12 =	sor.u32 $0x30, s0;
	s13 =	sor.u32 $0x40, s0  }
0x60: {  	s11 =	sor.u32 $0x60, s0;
	s20 =	sor.u32 $0x70, s0;
	s17 =	sadd.s32 s0, s2  }
0x61: {  	s29 =	sadd.s32 s27, s25;
	s7 =	sadd.s32 s28, s25;
	s18 =	sadd.s32 s15, s2;
	v6 =	vld [tilespmem:s17+$0x0]  }
0x62: {  	s8 =	sadd.s32 s30, s25;
	s5 =	sadd.s32 s31, s25;
	s19 =	sadd.s32 s10, s2;
	v7 =	vld [tilespmem:s18+$0x0]  }
0x63: {  	s16 =	sadd.s32 s6, s25;
	s27 =	sadd.s32 s27, s24;
	s29 =	sadd.s32 s9, s29;
	v2 =	vld [tilespmem:s19+$0x0]  }
0x64: {  	s21 =	sadd.s32 s12, s2;
	s28 =	sadd.s32 s28, s24;
	s7 =	sadd.s32 s0, s7;
	v0 =	vld [tilespmem:s29+$0x0]  }
0x65: {  	s22 =	sadd.s32 s13, s2;
	s6 =	sadd.s32 s6, s24;
	s8 =	sadd.s32 s4, s8;
	v1 =	vld [tilespmem:s7+$0x0]  }
0x66: {  	s5 =	sadd.s32 s26, s5;
	s14 =	sadd.s32 s0, s28;
	s28 =	sadd.s32 s1, s24;
	v3 =	vld [tilespmem:s8+$0x0]  }
0x67: {  	s9 =	sadd.s32 s9, s27;
	s16 =	sadd.s32 s3, s16;
	v4 =	vld [tilespmem:s5+$0x0];
	s19 =	sadd.s32 s0, s28  }
0x68: {  	s27 =	sor.u32 $0x50, s0;
	s6 =	sadd.s32 s3, s6;
	s18 =	sadd.s32 s11, s2;
	v5 =	vld [tilespmem:s16+$0x0];
	[tilespmem:s19+$0x0] =	vst v6  }
0x69: {  	s29 =	sadd.s32 s30, s24;
	s17 =	sadd.s32 s27, s2;
	s3 =	sadd.s32 s12, s28;
	[tilespmem:s9+$0x0] =	vst v0  }
0x6a: {  	s0 =	sadd.s32 s13, s28;
	s4 =	sadd.s32 s4, s29;
	s29 =	sadd.s32 s31, s24;
	[tilespmem:s14+$0x0] =	vst v1  }
0x6b: {  	s1 =	sadd.s32 s27, s28;
	s30 =	sadd.s32 s11, s28;
	s16 =	sadd.s32 s26, s29;
	[tilespmem:s4+$0x0] =	vst v3;
	v0 =	vld [tilespmem:s21+$0x0]  }
0x6c: {  	s27 =	simm.s32 $0x200;
	s29 =	sadd.s32 s20, s2;
	s26 =	simm.s32 $0x80;
	[tilespmem:s16+$0x0] =	vst v4;
	v1 =	vld [tilespmem:s22+$0x0]  }
0x6d: {  	s21 =	sadd.s32 s15, s28;
	s9 =	sadd.s32 s10, s28;
	[tilespmem:s6+$0x0] =	vst v5;
	s22 =	simm.s32 $0x100;
	v3 =	vld [tilespmem:s17+$0x0]  }
0x6e: {  	s28 =	sadd.s32 s20, s28;
	s4 =	sand.u32 $0x380, s26;
	v4 =	vld [tilespmem:s18+$0x0];
	s31 =	sand.u32 $0x800, s22;
	[tilespmem:s21+$0x0] =	vst v7  }
.LBB1_6:
0x6f: {  	s2 =	sor.u32 s4, s31  }
0x70: {  	p0 =	sne.s32 s27, $0xF00;
	s31 =	sand.u32 $0x80, s26;
	[tilespmem:s9+$0x0] =	vst v2;
	v2 =	vld [tilespmem:s29+$0x0];
	s9 =	sand.u32 $0xB00, s2  }
0x71: {  	s4 =	sor.u32 $0x410, s2;
	s5 =	sor.u32 $0x440, s2;
	[tilespmem:s3+$0x0] =	vst v0;
	s3 =	sor.u32 $0x420, s2  }
0x72: {  	s2 =	sor.u32 $0x430, s2;
	s16 =	sor.u32 $0x10, s31;
	s6 =	sand.u32 $0xF00, s5;
	[tilespmem:s0+$0x0] =	vst v1  }
0x73: {  	s0 =	sor.u32 $0x400, s9;
	s5 =	sand.u32 $0xC0, s5;
	s7 =	sadd.s32 s6, s25;
	[tilespmem:s1+$0x0] =	vst v3  }
0x74: {  	s8 =	sand.u32 $0xF00, s3;
	s1 =	sand.u32 $0xF00, s4;
	s7 =	sadd.s32 s5, s7;
	[tilespmem:s30+$0x0] =	vst v4  }
0x75: {  	s12 =	sand.u32 $0xF00, s2;
	s10 =	sadd.s32 s0, s25;
	s11 =	sadd.s32 s1, s25;
	v0 =	vld [tilespmem:s7+$0x0];
	[tilespmem:s28+$0x0] =	vst v2  }
0x76: {  	s13 =	sadd.s32 s8, s25;
	s15 =	sadd.s32 s12, s25;
	s7 =	sadd.s32 s9, s25  }
0x77: {  	s3 =	sand.u32 $0xA0, s3;
	s2 =	sand.u32 $0xB0, s2;
	s4 =	sand.u32 $0x90, s4  }
0x78: {  	s20 =	sor.u32 $0x20, s31;
	s17 =	sor.u32 $0x60, s31;
	s6 =	sadd.s32 s6, s24  }
0x79: {  	s30 =	sor.u32 $0x40, s31;
	s5 =	sadd.s32 s5, s6;
	s28 =	sor.u32 $0x30, s31  }
0x7a: {  	s14 =	sor.u32 $0x70, s31;
	s0 =	sadd.s32 s0, s24;
	s6 =	sor.u32 $0x50, s31;
	[tilespmem:s5+$0x0] =	vst v0  }
0x7b: {  	s5 =	sadd.s32 s31, s10;
	s10 =	sadd.s32 s4, s11;
	s11 =	sadd.s32 s3, s13  }
0x7c: {  	s18 =	sadd.s32 s16, s7;
	s13 =	sadd.s32 s31, s7;
	v0 =	vld [tilespmem:s5+$0x0];
	s5 =	sadd.s32 s2, s15  }
0x7d: {  	s19 =	sadd.s32 s28, s7;
	s22 =	sadd.s32 s30, s7;
	s15 =	sadd.s32 s20, s7;
	v1 =	vld [tilespmem:s10+$0x0]  }
0x7e: {  	s21 =	sadd.s32 s17, s7;
	s29 =	sadd.s32 s14, s7;
	s10 =	sadd.s32 s6, s7;
	v3 =	vld [tilespmem:s11+$0x0]  }
0x7f: {  	s1 =	sadd.s32 s1, s24;
	s7 =	sadd.s32 s8, s24;
	s8 =	sadd.s32 s12, s24;
	v4 =	vld [tilespmem:s5+$0x0]  }
0x80: {  	s0 =	sadd.s32 s31, s0;
	s2 =	sadd.s32 s2, s8;
	s5 =	sadd.s32 s9, s24;
	v5 =	vld [tilespmem:s13+$0x0]  }
0x81: {  	s8 =	sadd.s32 s16, s5;
	v6 =	vld [tilespmem:s18+$0x0];
	[tilespmem:s0+$0x0] =	vst v0;
	s0 =	sadd.s32 s4, s1;
	s4 =	sadd.s32 s3, s7  }
.Ltmp4:
0x82: {  	s9 =	sadd.s32 s20, s5;
	s7 =	sadd.s32 s31, s5;
	v2 =	vld [tilespmem:s15+$0x0];
	[tilespmem:s0+$0x0] =	vst v1;
	(pc) =	sbr.rel @p0 .LBB1_6-.Ltmp4, $4  }
0x83: {  	s3 =	sadd.s32 s28, s5;
	s1 =	sadd.s32 s6, s5;
	s0 =	sadd.s32 s30, s5;
	v0 =	vld [tilespmem:s19+$0x0];
	[tilespmem:s4+$0x0] =	vst v3  }
0x84: {  	s28 =	sadd.s32 s14, s5;
	s30 =	sadd.s32 s17, s5;
	v1 =	vld [tilespmem:s22+$0x0];
	[tilespmem:s2+$0x0] =	vst v4  }
0x85: {  	s26 =	sadd.s32 $0x80, s26;
	[tilespmem:s7+$0x0] =	vst v5;
	v3 =	vld [tilespmem:s10+$0x0]  }
0x86: {  	s31 =	sand.u32 $0x800, s27;
	s27 =	sadd.s32 $0x100, s27;
	s4 =	sand.u32 $0x380, s26;
	[tilespmem:s8+$0x0] =	vst v6;
	v4 =	vld [tilespmem:s21+$0x0]  }
0x87: {  	s2 =	sor.u32 s4, s31  }
0x88: {  	s26 =	sand.u32 $0x80, s26;
	s4 =	sand.u32 $0xB00, s2;
	s5 =	sor.u32 $0x410, s2  }
0x89: {  	s6 =	sor.u32 $0x440, s2;
	s7 =	sor.u32 $0x420, s2;
	s2 =	sor.u32 $0x430, s2  }
0x8a: {  	s27 =	sor.u32 $0x20, s26;
	s8 =	sand.u32 $0xF00, s6;
	s10 =	sor.u32 $0x400, s4  }
0x8b: {  	s6 =	sand.u32 $0xC0, s6;
	s12 =	sand.u32 $0xF00, s5;
	s13 =	sand.u32 $0xF00, s7  }
0x8c: {  	[tilespmem:s9+$0x0] =	vst v2;
	s16 =	sand.u32 $0xF00, s2;
	s9 =	sadd.s32 s4, s25;
	s5 =	sand.u32 $0x90, s5  }
0x8d: {  	s22 =	sand.u32 $0xA0, s7;
	s2 =	sand.u32 $0xB0, s2;
	s4 =	sadd.s32 s4, s24  }
0x8e: {  	v51 =	vld [tilespmem:s29+$0x0];
	s11 =	sadd.s32 s8, s25;
	s14 =	sadd.s32 s10, s25;
	s29 =	sadd.s32 s26, s9  }
0x8f: {  	[tilespmem:s3+$0x0] =	vst v0;
	s15 =	sadd.s32 s12, s25;
	s8 =	sadd.s32 s8, s24;
	s11 =	sadd.s32 s6, s11;
	v57 =	vld [tilespmem:s29+$0x0]  }
0x90: {  	[tilespmem:s0+$0x0] =	vst v1;
	s19 =	sadd.s32 s13, s25;
	s20 =	sadd.s32 s16, s25;
	s21 =	sadd.s32 s26, s14;
	v52 =	vld [tilespmem:s11+$0x0]  }
0x91: {  	[tilespmem:s1+$0x0] =	vst v3;
	s1 =	sor.u32 $0x10, s26;
	s10 =	sadd.s32 s10, s24;
	s25 =	sadd.s32 s5, s15;
	v53 =	vld [tilespmem:s21+$0x0]  }
0x92: {  	s31 =	sadd.s32 s13, s24;
	s6 =	sadd.s32 s6, s8;
	s8 =	sadd.s32 s22, s19;
	[tilespmem:s30+$0x0] =	vst v4;
	v54 =	vld [tilespmem:s25+$0x0]  }
0x93: {  	s3 =	sadd.s32 s2, s20;
	s0 =	sadd.s32 s22, s31;
	s22 =	sadd.s32 s26, s4;
	v55 =	vld [tilespmem:s8+$0x0];
	[tilespmem:s28+$0x0] =	vst v51  }
0x94: {  	s30 =	sadd.s32 s12, s24;
	s12 =	sadd.s32 s16, s24;
	s13 =	sadd.s32 s1, s9;
	v56 =	vld [tilespmem:s3+$0x0];
	[tilespmem:s22+$0x0] =	vst v57  }
0x95: {  	s10 =	sadd.s32 s26, s10;
	s14 =	sor.u32 $0x30, s26;
	s15 =	sadd.s32 s27, s9;
	v5 =	vld [tilespmem:s13+$0x0];
	[tilespmem:s6+$0x0] =	vst v52  }
0x96: {  	s16 =	sor.u32 $0x40, s26;
	s3 =	sadd.s32 s5, s30;
	v58 =	vld [tilespmem:s15+$0x0];
	s17 =	sadd.s32 s14, s9;
	[tilespmem:s10+$0x0] =	vst v53  }
0x97: {  	s18 =	sor.u32 $0x50, s26;
	s19 =	sadd.s32 s16, s9;
	v59 =	vld [tilespmem:s17+$0x0];
	[tilespmem:s3+$0x0] =	vst v54  }
0x98: {  	s20 =	sor.u32 $0x60, s26;
	s2 =	sadd.s32 s2, s12;
	s21 =	sadd.s32 s18, s9;
	v60 =	vld [tilespmem:s19+$0x0];
	[tilespmem:s0+$0x0] =	vst v55  }
0x99: {  	s1 =	sadd.s32 s1, s4;
	s25 =	sadd.s32 s20, s9;
	v61 =	vld [tilespmem:s21+$0x0];
	[tilespmem:s2+$0x0] =	vst v56  }
0x9a: {  	s27 =	sadd.s32 s27, s4;
	v62 =	vld [tilespmem:s25+$0x0];
	[tilespmem:s1+$0x0] =	vst v5  }
0x9b: {  	s28 =	sadd.s32 s14, s4;
	[tilespmem:s27+$0x0] =	vst v58  }
0x9c: {  	s29 =	sadd.s32 s16, s4;
	[tilespmem:s28+$0x0] =	vst v59  }
0x9d: {  	s30 =	sadd.s32 s18, s4;
	[tilespmem:s29+$0x0] =	vst v60  }
0x9e: {  	s24 =	sor.u32 $0x70, s26;
	s0 =	sadd.s32 s20, s4;
	[tilespmem:s30+$0x0] =	vst v61  }
0x9f: {  	s26 =	sadd.s32 s24, s9;
	[tilespmem:s0+$0x0] =	vst v62  }
0xa0: {  	v63 =	vld [tilespmem:s26+$0x0];
	s0 =	rddreg [dreg:$0x11]  }
0xa1: {  	p0 =	sne.s32 s23, s0  }
.Ltmp5:
0xa2: {  	_ = 	snop;
	(pc) =	sbr.rel @p0 .LBB1_5-.Ltmp5, $4  }
0xa3: {  	_ = 	snop  }
0xa4: {  	s31 =	sadd.s32 s24, s4  }
0xa5: {  	[tilespmem:s31+$0x0] =	vst v63  }
0xa6: {  	s23 =	sadd.s32 $0x1, s23;
	s2 =	rddreg [dreg:$0x14]  }
0xa7: {  	s2 =	sadd.s32 $0x1, s2;
	s0 =	rddreg [dreg:$0x10]  }
0xa8: {  	p0 =	sne.s32 s2, s0  }
.Ltmp6:
0xa9: {  	_ = 	snop;
	(pc) =	sbr.rel @p0 .LBB1_4-.Ltmp6, $4  }
.Ltmp7:
0xaa: {  	_ = 	snop;
	(pc) =	sbr.rel @!p0 .LBB1_9-.Ltmp7, $4  }
0xab: {  	_ = 	snop  }
0xac: {  	_ = 	snop  }
0xad: {  	_ = 	snop  }
0xae: {  	_ = 	snop  }
.LBB1_11:
0xaf: {  	_ =	sfence.sel $0x180000  }
0xb0: {  	s0 =	simm.s32 $0x1;
	[bflag:$0x0] =	sbarrier.arrive $0xFFFF  }
0xb1: {  	s30 =	simm.s32 $0x2;
	[sflag:s0] =	ssyncpa.u1 $0x1  }
0xb2: {  	[sflag:s30] =	ssyncpa.u1 $0x1  }
0xb3: {  	_ =	strace $0x90000047  }
0xb4: {  	s31 =	stileid.u32;
	[bflag:$0x2] =	sbarrier.arrive $0xFFFF  }
0xb5: {  	p0 =	sne.s32 s31, $0x0;
	s0 =	rddreg [dreg:$0x2]  }
0xb6: {  	s0 =	sadd.s32 @!p0 $0x100000, s0  }
0xb7: {  	[sflag:s0] =	ssyncadd.tile.s32 @!p0 $0x1;
	_ =	shalt  }
.Lfunc_end1:
_tile_overlayer_lowered:
.L_overlay_start_2:
0xb8: {  	(tag) =	ssettag $0x2  }
0xb9: {  	s0 =	rddreg [dreg:$0x0];
	s2 =	stileid.u32  }
0xba: {  	s1 =	rddreg [dreg:$0x1];
	p0 =	sne.s32 s2, $0x0  }
0xbb: {  	s3 =	rddreg [dreg:$0x2];
	[bflag:$0x3] =	sbarrier.arrive $0xFFFF;
	s2 =	simm.s32 @!p0 $0x1C01  }
0xbc: {  	[timem:s3], [sflag:s2] =	dma.local @!p0 [hbm:s0], s1  }
0xbd: {  	s0 =	simm.s32 @!p0 $0x1  }
0xbe: {  	_ =	swait.ge @!p0 [sflag:s0], s1  }
0xbf: {  	s1 =	ssub.s32 @!p0 $0x0, s1;
	[sflag:s0] =	ssyncset.done @!p0 $0x0  }
0xc0: {  	[sflag:s0] =	ssyncadd.s32 @!p0 s1  }
0xc1: {  	[bflag:$0x3] =	sbarrier.arrive $0xFFFF  }
0xc2: {  	_ =	shalt  }

</sc_bundles>
